<compile_context>
chip_gen: v7x
topology: tpu7x:2x2x1
jax: 0.10.2.dev20260603
libtpu: 0.0.44.dev20260713+nightly
codegen_flags: <defaults>
</compile_context>

<pallas_src>
import functools

import jax
import jax.numpy as jnp
from jax import lax
from jax.experimental import pallas as pl
from jax.experimental.pallas import tpu as pltpu
from jax.experimental.pallas import tpu_sc as plsc

VOCAB = 100000
D = 128
N_SAMPLES = 2048
B_ROWS = 1024 * 20
TOTAL_IDX = B_ROWS + N_SAMPLES
NW = 32
BPW = TOTAL_IDX // NW
R = 1024
GRID = B_ROWS // R


SEL_PAD = 102400
SEL_ROWS = SEL_PAD // 128
PER_TILE = SEL_PAD // NW
SEL_CHUNKS = PER_TILE // 16
_MIN32 = -2147483648


def _tc_select(scores_2d):

    def body(s_ref, thr_ref):
        x = s_ref[...]
        u = lax.bitcast_convert_type(x, jnp.int32)
        key = jnp.where(u >= 0, u ^ _MIN32, ~u)

        def it(j, carry):
            prefix, need = carry
            b = 31 - j
            bit = lax.shift_left(jnp.int32(1), b)
            mask = ~(bit - 1)
            cand = prefix | bit
            cnt = jnp.sum(((key & mask) == cand).astype(jnp.int32))
            take = cnt >= need
            prefix = jnp.where(take, cand, prefix)
            need = jnp.where(take, need, need - cnt)
            return prefix, need

        T, _ = lax.fori_loop(0, 32, it, (jnp.int32(0), jnp.int32(N_SAMPLES)))
        thr_bits = jnp.where(T < 0, T ^ _MIN32, ~T)
        thr = lax.bitcast_convert_type(thr_bits, jnp.float32)
        thr_ref[...] = jnp.full((1, 128), thr, jnp.float32)

    return pl.pallas_call(
        body,
        out_shape=jax.ShapeDtypeStruct((1, 128), jnp.float32),
    )(scores_2d)


def _sc_compact(scores_flat, thr_flat):
    mesh = plsc.VectorSubcoreMesh(core_axis_name="c", subcore_axis_name="s")

    @functools.partial(
        pl.kernel,
        mesh=mesh,
        compiler_params=pltpu.CompilerParams(needs_layout_passes=False),
        out_type=jax.ShapeDtypeStruct((N_SAMPLES + 8,), jnp.int32),
        scratch_types=[
            pltpu.VMEM((PER_TILE,), jnp.float32),
            pltpu.VMEM((PER_TILE,), jnp.int32),
            pltpu.VMEM((16,), jnp.float32),
            pltpu.SMEM((1,), jnp.int32),
            pltpu.SemaphoreType.DMA,
        ],
    )
    def k(scores_hbm, thr_hbm, out_hbm, keys_v, sel_v, thr_v,
          cnt_smem, sem):
        c = lax.axis_index("c")
        s = lax.axis_index("s")
        tile = c * 16 + s
        gbase = tile * PER_TILE
        pltpu.sync_copy(scores_hbm.at[pl.ds(gbase, PER_TILE)], keys_v)
        pltpu.sync_copy(thr_hbm.at[pl.ds(0, 16)], thr_v)

        @pl.when(s == 0)
        def _():
            cnt_smem[0] = 0

        plsc.subcore_barrier()
        thr = thr_v[...]
        iota16 = jnp.arange(16, dtype=jnp.int32)
        zeros16 = jnp.zeros((16,), jnp.int32)

        gbase_v = jnp.full((16,), gbase, jnp.int32)

        def scan_chunk(j, off):
            kv = keys_v[pl.ds(j * 16, 16)]
            m = kv >= thr
            mi = jnp.where(m, jnp.full((16,), 1, jnp.int32), zeros16)
            slots = off + plsc.cumsum(mi) - mi
            idxv = gbase_v + jnp.full((16,), j * 16, jnp.int32) + iota16
            plsc.store_scatter(sel_v, [slots], idxv, mask=m)
            return off + plsc.all_reduce_population_count(m)

        off = lax.fori_loop(0, SEL_CHUNKS, scan_chunk, zeros16)
        local_cnt = jnp.max(off)
        start = plsc.fetch_and_add(cnt_smem.at[0], local_cnt, subcore_id=0)
        start_v = jnp.full((16,), start, jnp.int32)
        sgn_v = jnp.full((16,), 1 - 2 * c, jnp.int32)
        bias_v = jnp.full((16,), c * (N_SAMPLES - 1), jnp.int32)

        trash_v = jnp.full((16,), N_SAMPLES, jnp.int32) + (iota16 & 7)

        def scat_chunk(j, carry):
            @pl.when(j * 16 < local_cnt)
            def _do():
                r = jnp.full((16,), j * 16, jnp.int32) + iota16
                slot = bias_v + sgn_v * (start_v + r)
                ok = (r < off) & (slot >= 0) & (slot < N_SAMPLES)
                slot16 = jnp.where(ok, slot, trash_v)
                pltpu.async_copy(sel_v.at[pl.ds(j * 16, 16)],
                                 out_hbm.at[slot16], sem).wait()
            return carry

        lax.fori_loop(0, SEL_CHUNKS, scat_chunk, jnp.int32(0))

    return k(scores_flat, thr_flat)


def _sc_gather(table, probs, idx_all):
    mesh = plsc.VectorSubcoreMesh(core_axis_name="c", subcore_axis_name="s")

    @functools.partial(
        pl.kernel,
        mesh=mesh,
        out_type=[
            jax.ShapeDtypeStruct((TOTAL_IDX, D), jnp.float32),
            jax.ShapeDtypeStruct((TOTAL_IDX,), jnp.float32),
        ],
        scratch_types=[
            pltpu.VMEM((BPW,), jnp.int32),
            pltpu.VMEM((BPW, D), jnp.float32),
            pltpu.VMEM((BPW,), jnp.float32),
            pltpu.SemaphoreType.DMA,
            pltpu.SemaphoreType.DMA,
        ],
    )
    def k(table_hbm, probs_hbm, idx_hbm, rows_out, p_out,
          idx_v, rows_v, p_v, sem1, sem2):
        wid = lax.axis_index("s") * 2 + lax.axis_index("c")
        base = wid * BPW
        pltpu.sync_copy(idx_hbm.at[pl.ds(base, BPW)], idx_v)
        c1 = pltpu.async_copy(table_hbm.at[idx_v], rows_v, sem1)
        c2 = pltpu.async_copy(probs_hbm.at[idx_v], p_v, sem2)
        c1.wait()
        c2.wait()
        pltpu.sync_copy(rows_v, rows_out.at[pl.ds(base, BPW)])
        pltpu.sync_copy(p_v, p_out.at[pl.ds(base, BPW)])

    return k(table, probs, idx_all)


def _tc_loss(emb2, pos_emb, neg_emb, yf2, sampled2, tp2, sp2):
    def body(emb_ref, pos_ref, neg_ref, yf_ref, s_ref, tp_ref, sp_ref,
             out_ref, acc_ref):
        i = pl.program_id(0)
        e = emb_ref[...]
        p = pos_ref[...]
        nT = neg_ref[...]
        yfb = yf_ref[...]
        sam = s_ref[...]
        tp = tp_ref[...]
        sp = sp_ref[...]

        C = 16.2
        neg_logq = -jnp.log(sp + 1e-10)
        neg = lax.dot_general(e.astype(jnp.bfloat16),
                              nT.astype(jnp.bfloat16),
                              (((1,), (1,)), ((), ())),
                              preferred_element_type=jnp.float32)
        expneg = jnp.where(yfb == sam, 0.0, jnp.exp(neg + (neg_logq - C)))
        t = jnp.sum(expneg, axis=1, keepdims=True)
        pos_l = (jnp.sum(e * p, axis=1, keepdims=True)
                 - jnp.log(tp + 1e-10))
        Cb = jnp.full((R, 1), C, jnp.float32)
        row_loss = jnp.log(t + jnp.exp(pos_l - Cb)) + Cb - pos_l
        validb = yfb != 0
        part = jnp.sum(jnp.where(validb, row_loss, 0.0))
        cnt = jnp.sum(validb.astype(jnp.float32))

        @pl.when(i == 0)
        def _():
            acc_ref[0] = 0.0
            acc_ref[1] = 0.0

        acc_ref[0] += part
        acc_ref[1] += cnt

        @pl.when(i == GRID - 1)
        def _():
            out_ref[...] = jnp.full((1, 1), acc_ref[0] / acc_ref[1],
                                    dtype=jnp.float32)

    out = pl.pallas_call(
        body,
        grid=(GRID,),
        in_specs=[
            pl.BlockSpec((R, D), lambda i: (i, 0)),
            pl.BlockSpec((R, D), lambda i: (i, 0)),
            pl.BlockSpec((N_SAMPLES, D), lambda i: (0, 0)),
            pl.BlockSpec((R, 1), lambda i: (i, 0)),
            pl.BlockSpec((1, N_SAMPLES), lambda i: (0, 0)),
            pl.BlockSpec((R, 1), lambda i: (i, 0)),
            pl.BlockSpec((1, N_SAMPLES), lambda i: (0, 0)),
        ],
        out_specs=pl.BlockSpec((1, 1), lambda i: (0, 0)),
        out_shape=jax.ShapeDtypeStruct((1, 1), jnp.float32),
        scratch_shapes=[pltpu.SMEM((2,), jnp.float32)],
    )(emb2, pos_emb, neg_emb, yf2, sampled2, tp2, sp2)
    return out[0, 0]


def kernel(emb, y, item_emb_table, sampling_probs):
    yf = y.reshape(-1)
    g = jax.random.gumbel(jax.random.key(42), sampling_probs.shape,
                          sampling_probs.dtype)
    scores = jnp.log(sampling_probs + 1e-10) + g
    scores_pad = jnp.concatenate(
        [scores, jnp.full((SEL_PAD - VOCAB,), -jnp.inf, jnp.float32)])
    thr = _tc_select(scores_pad.reshape(SEL_ROWS, 128)).reshape(-1)
    sampled = _sc_compact(scores_pad, thr)[:N_SAMPLES]
    idx_all = jnp.concatenate([yf, sampled]).astype(jnp.int32)
    rows, probs = _sc_gather(item_emb_table, sampling_probs, idx_all)
    pos_emb = rows[:B_ROWS]
    neg_emb = rows[B_ROWS:]
    tp2 = probs[:B_ROWS].reshape(B_ROWS, 1)
    sp2 = probs[B_ROWS:].reshape(1, N_SAMPLES)
    return _tc_loss(emb.reshape(-1, D), pos_emb, neg_emb,
                    yf.reshape(-1, 1), sampled.reshape(1, -1), tp2, sp2)

# --- scband reference (transcript-rebuilt; emitter-appended) ---
"""Pipeline reference for scband-sampled-softmax-prediction-head-19086834663949 (READ-ONLY COPY).

The authoritative reference and input builder live on the scoring server;
editing this copy changes nothing except your own understanding.
"""

import jax, jax.numpy as jnp
import numpy as np

VOCAB = 100000
EMBED_DIM = 128
N_SAMPLES = 2048
TEMPERATURE = 1.0


def setup_inputs(seed: int = 0):
    key = jax.random.key(seed)
    k1, k2, k3, k4 = jax.random.split(key, 4)
    emb = jax.random.normal(k1, (1024, 20, EMBED_DIM), dtype=jnp.float32)
    y = jax.random.randint(k2, (1024, 20), 0, VOCAB, dtype=jnp.int32)
    item_emb_table = jax.random.normal(k3, (VOCAB, EMBED_DIM), dtype=jnp.float32) * 0.02
    p = jax.random.uniform(k4, (VOCAB,), minval=0.01, maxval=1.0, dtype=jnp.float32)
    sampling_probs = p / jnp.sum(p)
    return {"emb": emb, "y": y, "item_emb_table": item_emb_table, "sampling_probs": sampling_probs}


def reference(emb, y, item_emb_table, sampling_probs):
    d = emb.shape[-1]
    emb2 = emb.reshape(-1, d)
    yf = y.reshape(-1)
    # mask out padding tokens (y == 0); mask is concrete so gather indices are static
    n_total = yf.shape[0]
    valid = yf != 0
    count = jnp.sum(valid)
    idx = jnp.nonzero(valid, size=n_total, fill_value=0)[0]
    emb2 = emb2[idx]
    yf = yf[idx]
    row_valid = jnp.arange(n_total) < count
    # PopularitySampler: multinomial without replacement == Gumbel top-k over log-probs
    gkey = jax.random.key(42)
    g = jax.random.gumbel(gkey, sampling_probs.shape, dtype=sampling_probs.dtype)
    _, sampled_indices = jax.lax.top_k(jnp.log(sampling_probs + 1e-10) + g, N_SAMPLES)
    true_probs = sampling_probs[yf]
    sample_probs = sampling_probs[sampled_indices]
    # item_embedding_fn == embedding table lookup
    pos_item_emb = item_emb_table[yf]
    neg_item_emb = item_emb_table[sampled_indices]
    pos_logits = jnp.sum(emb2 * pos_item_emb, axis=1)
    neg_logits = emb2 @ neg_item_emb.T
    collision_mask = yf[:, None] == sampled_indices[None, :]
    neg_logits = jnp.where(collision_mask, -1e9, neg_logits)
    # SampledSoftmaxLoss with logQ correction, labels all zero -> cross entropy
    pos_l = pos_logits / TEMPERATURE - jnp.log(true_probs + 1e-10)
    neg_l = neg_logits / TEMPERATURE - jnp.log(sample_probs[None, :] + 1e-10)
    logits = jnp.concatenate([pos_l[:, None], neg_l], axis=1)
    row_loss = jax.nn.logsumexp(logits, axis=1) - logits[:, 0]
    loss = jnp.sum(jnp.where(row_valid, row_loss, 0.0)) / count
    return loss

if __name__ == "__main__":
    import jax
    _d = setup_inputs()
    print(jax.jit(kernel)(*tuple(_d.values())))

</pallas_src>

<mosaic_0001>
#map = affine_map<(d0, d1) -> (0, 0)>
#map1 = affine_map<(d0, d1) -> (0)>
module attributes {stable_mosaic.version = 14 : i64} {
  func.func @k(%arg0: i32, %arg1: i32, %arg2: memref<100000x128xf32, #tpu.memory_space<hbm>>, %arg3: memref<100000xf32, #tpu.memory_space<hbm>>, %arg4: memref<22528xi32, #tpu.memory_space<hbm>>, %arg5: memref<22528x128xf32, #tpu.memory_space<hbm>>, %arg6: memref<22528xf32, #tpu.memory_space<hbm>>, %arg7: memref<704xi32, #tpu.memory_space<vmem>>, %arg8: memref<704x128xf32, #tpu.memory_space<vmem>>, %arg9: memref<704xf32, #tpu.memory_space<vmem>>, %arg10: memref<!tpu.dma_semaphore, #tpu.memory_space<semaphore_mem>>, %arg11: memref<!tpu.dma_semaphore, #tpu.memory_space<semaphore_mem>>) attributes {dimension_semantics = [#tpu.dimension_semantics<core_parallel>, #tpu.dimension_semantics<subcore_parallel>], iteration_bounds = array<i64: 2, 16>, scalar_prefetch = 0 : i64, scratch_operands = 5 : i64, tpu.core_type = #tpu.core_type<sc_vector_subcore>, window_params = [{transform_indices = #map}, {transform_indices = #map1}, {transform_indices = #map1}, {transform_indices = #map}, {transform_indices = #map1}]} {
    %mul3A = arith.constant 2 : i32
    %mul3A_0 = arith.muli %arg1, %mul3A : i32
    %add3A = arith.addi %mul3A_0, %arg0 : i32
    %mul3A_1 = arith.constant 704 : i32
    %mul3A_2 = arith.muli %add3A, %mul3A_1 : i32
    "tpu.region"() ({
      %run_scoped3A = tpu.sem_alloc : memref<!tpu.dma_semaphore, #tpu.memory_space<semaphore_mem>>
      %dma_start3A_11 = tpu.memref_slice %arg4[%mul3A_2] : memref<22528xi32, #tpu.memory_space<hbm>> -> memref<704xi32, #tpu.memory_space<hbm>>
      %dma_start3A_12 = tpu.memref_slice %arg4[%mul3A_2] : memref<22528xi32, #tpu.memory_space<hbm>> -> memref<704xi32, #tpu.memory_space<hbm>>
      tpu.enqueue_dma source(%dma_start3A_12 : memref<704xi32, #tpu.memory_space<hbm>>) target(%arg7 : memref<704xi32, #tpu.memory_space<vmem>>) target_semaphore(%run_scoped3A : memref<!tpu.dma_semaphore, #tpu.memory_space<semaphore_mem>>)
      %dma_wait3A_13 = tpu.memref_slice %arg4[%mul3A_2] : memref<22528xi32, #tpu.memory_space<hbm>> -> memref<704xi32, #tpu.memory_space<hbm>>
      %dma_wait3A_14 = tpu.memref_slice %arg4[%mul3A_2] : memref<22528xi32, #tpu.memory_space<hbm>> -> memref<704xi32, #tpu.memory_space<hbm>>
      tpu.wait_dma2 semaphore(%run_scoped3A : memref<!tpu.dma_semaphore, #tpu.memory_space<semaphore_mem>>) src(%dma_wait3A_14 : memref<704xi32, #tpu.memory_space<hbm>>) dst(%arg7 : memref<704xi32, #tpu.memory_space<vmem>>)
      tpu.yield
    }) : () -> ()
    %dma_start3A = arith.constant 0 : i32
    %dma_start3A_3 = arith.constant 0 : i32
    %dma_start3A_4 = tpu.memref_slice %arg2[%dma_start3A, %dma_start3A_3] : memref<100000x128xf32, #tpu.memory_space<hbm>> -> memref<100000x128xf32, #tpu.memory_space<hbm>>
    tpu.enqueue_indirect_dma source(%dma_start3A_4 : memref<100000x128xf32, #tpu.memory_space<hbm>>) target(%arg8 : memref<704x128xf32, #tpu.memory_space<vmem>>) offsets(%arg7 : memref<704xi32, #tpu.memory_space<vmem>>) semaphore(%arg10 : memref<!tpu.dma_semaphore, #tpu.memory_space<semaphore_mem>>)
    %dma_start3A_5 = arith.constant 0 : i32
    %dma_start3A_6 = tpu.memref_slice %arg3[%dma_start3A_5] : memref<100000xf32, #tpu.memory_space<hbm>> -> memref<100000xf32, #tpu.memory_space<hbm>>
    tpu.enqueue_indirect_dma source(%dma_start3A_6 : memref<100000xf32, #tpu.memory_space<hbm>>) target(%arg9 : memref<704xf32, #tpu.memory_space<vmem>>) offsets(%arg7 : memref<704xi32, #tpu.memory_space<vmem>>) semaphore(%arg11 : memref<!tpu.dma_semaphore, #tpu.memory_space<semaphore_mem>>)
    %dma_wait3A = arith.constant 0 : i32
    %dma_wait3A_7 = arith.constant 0 : i32
    %dma_wait3A_8 = tpu.memref_slice %arg2[%dma_wait3A, %dma_wait3A_7] : memref<100000x128xf32, #tpu.memory_space<hbm>> -> memref<100000x128xf32, #tpu.memory_space<hbm>>
    tpu.wait_indirect_dma semaphore(%arg10 : memref<!tpu.dma_semaphore, #tpu.memory_space<semaphore_mem>>) src(%dma_wait3A_8 : memref<100000x128xf32, #tpu.memory_space<hbm>>) dst(%arg8 : memref<704x128xf32, #tpu.memory_space<vmem>>)
    %dma_wait3A_9 = arith.constant 0 : i32
    %dma_wait3A_10 = tpu.memref_slice %arg3[%dma_wait3A_9] : memref<100000xf32, #tpu.memory_space<hbm>> -> memref<100000xf32, #tpu.memory_space<hbm>>
    tpu.wait_indirect_dma semaphore(%arg11 : memref<!tpu.dma_semaphore, #tpu.memory_space<semaphore_mem>>) src(%dma_wait3A_10 : memref<100000xf32, #tpu.memory_space<hbm>>) dst(%arg9 : memref<704xf32, #tpu.memory_space<vmem>>)
    "tpu.region"() ({
      %run_scoped3A = tpu.sem_alloc : memref<!tpu.dma_semaphore, #tpu.memory_space<semaphore_mem>>
      %dma_start3A_11 = arith.constant 0 : i32
      %dma_start3A_12 = tpu.memref_slice %arg5[%mul3A_2, %dma_start3A_11] : memref<22528x128xf32, #tpu.memory_space<hbm>> -> memref<704x128xf32, #tpu.memory_space<hbm>>
      %dma_start3A_13 = arith.constant 0 : i32
      %dma_start3A_14 = tpu.memref_slice %arg5[%mul3A_2, %dma_start3A_13] : memref<22528x128xf32, #tpu.memory_space<hbm>> -> memref<704x128xf32, #tpu.memory_space<hbm>>
      tpu.enqueue_dma source(%arg8 : memref<704x128xf32, #tpu.memory_space<vmem>>) target(%dma_start3A_14 : memref<704x128xf32, #tpu.memory_space<hbm>>) target_semaphore(%run_scoped3A : memref<!tpu.dma_semaphore, #tpu.memory_space<semaphore_mem>>)
      %dma_wait3A_15 = arith.constant 0 : i32
      %dma_wait3A_16 = tpu.memref_slice %arg5[%mul3A_2, %dma_wait3A_15] : memref<22528x128xf32, #tpu.memory_space<hbm>> -> memref<704x128xf32, #tpu.memory_space<hbm>>
      %dma_wait3A_17 = arith.constant 0 : i32
      %dma_wait3A_18 = tpu.memref_slice %arg5[%mul3A_2, %dma_wait3A_17] : memref<22528x128xf32, #tpu.memory_space<hbm>> -> memref<704x128xf32, #tpu.memory_space<hbm>>
      tpu.wait_dma2 semaphore(%run_scoped3A : memref<!tpu.dma_semaphore, #tpu.memory_space<semaphore_mem>>) src(%arg8 : memref<704x128xf32, #tpu.memory_space<vmem>>) dst(%dma_wait3A_18 : memref<704x128xf32, #tpu.memory_space<hbm>>)
      tpu.yield
    }) : () -> ()
    "tpu.region"() ({
      %run_scoped3A = tpu.sem_alloc : memref<!tpu.dma_semaphore, #tpu.memory_space<semaphore_mem>>
      %dma_start3A_11 = tpu.memref_slice %arg6[%mul3A_2] : memref<22528xf32, #tpu.memory_space<hbm>> -> memref<704xf32, #tpu.memory_space<hbm>>
      %dma_start3A_12 = tpu.memref_slice %arg6[%mul3A_2] : memref<22528xf32, #tpu.memory_space<hbm>> -> memref<704xf32, #tpu.memory_space<hbm>>
      tpu.enqueue_dma source(%arg9 : memref<704xf32, #tpu.memory_space<vmem>>) target(%dma_start3A_12 : memref<704xf32, #tpu.memory_space<hbm>>) target_semaphore(%run_scoped3A : memref<!tpu.dma_semaphore, #tpu.memory_space<semaphore_mem>>)
      %dma_wait3A_13 = tpu.memref_slice %arg6[%mul3A_2] : memref<22528xf32, #tpu.memory_space<hbm>> -> memref<704xf32, #tpu.memory_space<hbm>>
      %dma_wait3A_14 = tpu.memref_slice %arg6[%mul3A_2] : memref<22528xf32, #tpu.memory_space<hbm>> -> memref<704xf32, #tpu.memory_space<hbm>>
      tpu.wait_dma2 semaphore(%run_scoped3A : memref<!tpu.dma_semaphore, #tpu.memory_space<semaphore_mem>>) src(%arg9 : memref<704xf32, #tpu.memory_space<vmem>>) dst(%dma_wait3A_14 : memref<704xf32, #tpu.memory_space<hbm>>)
      tpu.yield
    }) : () -> ()
    return
  }
}

#map = affine_map<(d0, d1) -> (0)>
module attributes {stable_mosaic.version = 14 : i64} {
  func.func @k(%arg0: i32, %arg1: i32, %arg2: memref<102400xf32, #tpu.memory_space<hbm>>, %arg3: memref<128xf32, #tpu.memory_space<hbm>>, %arg4: memref<2056xi32, #tpu.memory_space<hbm>>, %arg5: memref<3200xf32, #tpu.memory_space<vmem>>, %arg6: memref<3200xi32, #tpu.memory_space<vmem>>, %arg7: memref<16xf32, #tpu.memory_space<vmem>>, %arg8: memref<1xi32, #tpu.memory_space<smem>>, %arg9: memref<!tpu.dma_semaphore, #tpu.memory_space<semaphore_mem>>) attributes {dimension_semantics = [#tpu.dimension_semantics<core_parallel>, #tpu.dimension_semantics<subcore_parallel>], iteration_bounds = array<i64: 2, 16>, scalar_prefetch = 0 : i64, scratch_operands = 5 : i64, tpu.core_type = #tpu.core_type<sc_vector_subcore>, window_params = [{transform_indices = #map}, {transform_indices = #map}, {transform_indices = #map}]} {
    %mul3A = arith.constant 16 : i32
    %mul3A_0 = arith.muli %arg0, %mul3A : i32
    %add3A = arith.addi %mul3A_0, %arg1 : i32
    %mul3A_1 = arith.constant 3200 : i32
    %mul3A_2 = arith.muli %add3A, %mul3A_1 : i32
    "tpu.region"() ({
      %run_scoped3A = tpu.sem_alloc : memref<!tpu.dma_semaphore, #tpu.memory_space<semaphore_mem>>
      %dma_start3A = tpu.memref_slice %arg2[%mul3A_2] : memref<102400xf32, #tpu.memory_space<hbm>> -> memref<3200xf32, #tpu.memory_space<hbm>>
      %dma_start3A_41 = tpu.memref_slice %arg2[%mul3A_2] : memref<102400xf32, #tpu.memory_space<hbm>> -> memref<3200xf32, #tpu.memory_space<hbm>>
      tpu.enqueue_dma source(%dma_start3A_41 : memref<3200xf32, #tpu.memory_space<hbm>>) target(%arg5 : memref<3200xf32, #tpu.memory_space<vmem>>) target_semaphore(%run_scoped3A : memref<!tpu.dma_semaphore, #tpu.memory_space<semaphore_mem>>)
      %dma_wait3A = tpu.memref_slice %arg2[%mul3A_2] : memref<102400xf32, #tpu.memory_space<hbm>> -> memref<3200xf32, #tpu.memory_space<hbm>>
      %dma_wait3A_42 = tpu.memref_slice %arg2[%mul3A_2] : memref<102400xf32, #tpu.memory_space<hbm>> -> memref<3200xf32, #tpu.memory_space<hbm>>
      tpu.wait_dma2 semaphore(%run_scoped3A : memref<!tpu.dma_semaphore, #tpu.memory_space<semaphore_mem>>) src(%dma_wait3A_42 : memref<3200xf32, #tpu.memory_space<hbm>>) dst(%arg5 : memref<3200xf32, #tpu.memory_space<vmem>>)
      tpu.yield
    }) : () -> ()
    "tpu.region"() ({
      %run_scoped3A = tpu.sem_alloc : memref<!tpu.dma_semaphore, #tpu.memory_space<semaphore_mem>>
      %dma_start3A = arith.constant 0 : i32
      %dma_start3A_41 = tpu.memref_slice %arg3[%dma_start3A] : memref<128xf32, #tpu.memory_space<hbm>> -> memref<16xf32, #tpu.memory_space<hbm>>
      %dma_start3A_42 = arith.constant 0 : i32
      %dma_start3A_43 = tpu.memref_slice %arg3[%dma_start3A_42] : memref<128xf32, #tpu.memory_space<hbm>> -> memref<16xf32, #tpu.memory_space<hbm>>
      tpu.enqueue_dma source(%dma_start3A_43 : memref<16xf32, #tpu.memory_space<hbm>>) target(%arg7 : memref<16xf32, #tpu.memory_space<vmem>>) target_semaphore(%run_scoped3A : memref<!tpu.dma_semaphore, #tpu.memory_space<semaphore_mem>>)
      %dma_wait3A = arith.constant 0 : i32
      %dma_wait3A_44 = tpu.memref_slice %arg3[%dma_wait3A] : memref<128xf32, #tpu.memory_space<hbm>> -> memref<16xf32, #tpu.memory_space<hbm>>
      %dma_wait3A_45 = arith.constant 0 : i32
      %dma_wait3A_46 = tpu.memref_slice %arg3[%dma_wait3A_45] : memref<128xf32, #tpu.memory_space<hbm>> -> memref<16xf32, #tpu.memory_space<hbm>>
      tpu.wait_dma2 semaphore(%run_scoped3A : memref<!tpu.dma_semaphore, #tpu.memory_space<semaphore_mem>>) src(%dma_wait3A_46 : memref<16xf32, #tpu.memory_space<hbm>>) dst(%arg7 : memref<16xf32, #tpu.memory_space<vmem>>)
      tpu.yield
    }) : () -> ()
    %eq3A = arith.constant 0 : i32
    %eq3A_3 = arith.cmpi eq, %arg1, %eq3A : i32
    %convert_element_type3A = arith.extui %eq3A_3 : i1 to i32
    %cond3A = arith.constant 0 : i32
    %cond3A_4 = arith.cmpi ne, %convert_element_type3A, %cond3A : i32
    scf.if %cond3A_4 {
      %swap3A = arith.constant 0 : i32
      %swap3A_41 = arith.constant 0 : i32
      %swap3A_42 = arith.index_cast %swap3A_41 : i32 to index
      %swap3A_43 = memref.load %arg8[%swap3A_42] : memref<1xi32, #tpu.memory_space<smem>>
      memref.store %swap3A, %arg8[%swap3A_42] : memref<1xi32, #tpu.memory_space<smem>>
    } else {
    }
    %barrier3A = arith.constant 0 : index
    tpu.barrier barrier_id(%barrier3A)
    %get3A = arith.constant 0 : index
    %get3A_5 = tpu.vector_load %arg7[%get3A] {strides = array<i32>} : memref<16xf32, #tpu.memory_space<vmem>>, vector<16xf32>,
    %iota3A = tpu.iota {dimensions = array<i32: 0>} : vector<16xi32>
    %broadcast_in_dim3A = arith.constant 0 : i32
    %broadcast_in_dim3A_6 = vector.broadcast %broadcast_in_dim3A : i32 to vector<16xi32>
    %broadcast_in_dim3A_7 = vector.broadcast %mul3A_2 : i32 to vector<16xi32>
    %scan3A = arith.constant 0 : i32
    %scan3A_8 = arith.constant 200 : i32
    %scan3A_9 = arith.addi %scan3A, %scan3A_8 : i32
    %scan3A_10 = arith.constant 1 : i32
    %scan3A_11 = scf.for %scan3A_41 = %scan3A to %scan3A_9 step %scan3A_10 iter_args(%scan3A_42 = %broadcast_in_dim3A_6) -> (vector<16xi32>)  : i32 {
      %mul3A_43 = arith.constant 16 : i32
      %mul3A_44 = arith.muli %scan3A_41, %mul3A_43 : i32
      %get3A_45 = arith.index_cast %mul3A_44 : i32 to index
      %get3A_46 = tpu.vector_load %arg5[%get3A_45] {strides = array<i32>} : memref<3200xf32, #tpu.memory_space<vmem>>, vector<16xf32>,
      %ge3A = arith.cmpf oge, %get3A_46, %get3A_5 : vector<16xf32>
      %broadcast_in_dim3A_47 = arith.constant 1 : i32
      %broadcast_in_dim3A_48 = vector.broadcast %broadcast_in_dim3A_47 : i32 to vector<16xi32>
      %select_n3A = arith.select %ge3A, %broadcast_in_dim3A_48, %broadcast_in_dim3A_6 : vector<16xi1>, vector<16xi32>
      %broadcast_in_dim3A_49 = arith.constant true
      %broadcast_in_dim3A_50 = vector.broadcast %broadcast_in_dim3A_49 : i1 to vector<16xi1>
      %masked_cumsum3A = tpu.scan <sum>, %select_n3A masked %broadcast_in_dim3A_50 : vector<16xi32>, vector<16xi1> -> vector<16xi32>
      %add3A_51 = arith.addi %scan3A_42, %masked_cumsum3A : vector<16xi32>
      %sub3A_52 = arith.subi %add3A_51, %select_n3A : vector<16xi32>
      %mul3A_53 = arith.constant 16 : i32
      %mul3A_54 = arith.muli %scan3A_41, %mul3A_53 : i32
      %broadcast_in_dim3A_55 = vector.broadcast %mul3A_54 : i32 to vector<16xi32>
      %add3A_56 = arith.addi %broadcast_in_dim3A_7, %broadcast_in_dim3A_55 : vector<16xi32>
      %add3A_57 = arith.addi %add3A_56, %iota3A : vector<16xi32>
      tpu.vector_store_idx %arg6[%sub3A_52], %add3A_57 masked %ge3A : memref<3200xi32, #tpu.memory_space<vmem>>[vector<16xi32>], vector<16xi32>, vector<16xi1>
      %all_reduce_population_count3A = tpu.all_reduce %ge3A {dim = 0 : i64, kind = #tpu.reduction_kind<sum>} : vector<16xi1> -> vector<16xi32>
      %add3A_58 = arith.addi %scan3A_42, %all_reduce_population_count3A : vector<16xi32>
      scf.yield %add3A_58 : vector<16xi32>
    }
    %scan3A_12 = arith.constant 200 : i32
    %reduce_max3A = arith.constant true
    %reduce_max3A_13 = vector.broadcast %reduce_max3A : i1 to vector<16xi1>
    %reduce_max3A_14 = arith.constant -2147483648 : i32
    %reduce_max3A_15 = vector.broadcast %reduce_max3A_14 : i32 to vector<16xi32>
    %reduce_max3A_16 = arith.xori %scan3A_11, %reduce_max3A_15 : vector<16xi32>
    %reduce_max3A_17 = tpu.scan <max>, %reduce_max3A_16 masked %reduce_max3A_13 : vector<16xi32>, vector<16xi1> -> vector<16xi32>
    %reduce_max3A_18 = arith.xori %reduce_max3A_17, %reduce_max3A_15 : vector<16xi32>
    %reduce_max3A_19 = vector.extract %reduce_max3A_18[15] : i32 from vector<16xi32>
    %sc_fetch_and_add3A = arith.constant 0 : i32
    %sc_fetch_and_add3A_20 = arith.constant 0 : i32
    %sc_fetch_and_add3A_21 = tpu.fetch_and_add_sync %arg8[%sc_fetch_and_add3A], %reduce_max3A_19, %sc_fetch_and_add3A_20 : memref<1xi32, #tpu.memory_space<smem>>, i32 -> i32
    %broadcast_in_dim3A_22 = vector.broadcast %sc_fetch_and_add3A_21 : i32 to vector<16xi32>
    %mul3A_23 = arith.constant 2 : i32
    %mul3A_24 = arith.muli %mul3A_23, %arg0 : i32
    %sub3A = arith.constant 1 : i32
    %sub3A_25 = arith.subi %sub3A, %mul3A_24 : i32
    %broadcast_in_dim3A_26 = vector.broadcast %sub3A_25 : i32 to vector<16xi32>
    %mul3A_27 = arith.constant 2047 : i32
    %mul3A_28 = arith.muli %arg0, %mul3A_27 : i32
    %broadcast_in_dim3A_29 = vector.broadcast %mul3A_28 : i32 to vector<16xi32>
    %broadcast_in_dim3A_30 = arith.constant 2048 : i32
    %broadcast_in_dim3A_31 = vector.broadcast %broadcast_in_dim3A_30 : i32 to vector<16xi32>
    %and3A = arith.constant 7 : i32
    %and3A_32 = vector.broadcast %and3A : i32 to vector<16xi32>
    %and3A_33 = arith.andi %iota3A, %and3A_32 : vector<16xi32>
    %add3A_34 = arith.addi %broadcast_in_dim3A_31, %and3A_33 : vector<16xi32>
    %scan3A_35 = arith.constant 0 : i32
    %scan3A_36 = arith.constant 0 : i32
    %scan3A_37 = arith.constant 200 : i32
    %scan3A_38 = arith.addi %scan3A_36, %scan3A_37 : i32
    %scan3A_39 = arith.constant 1 : i32
    scf.for %scan3A_41 = %scan3A_36 to %scan3A_38 step %scan3A_39  : i32 {
      %mul3A_42 = arith.constant 16 : i32
      %mul3A_43 = arith.muli %scan3A_41, %mul3A_42 : i32
      %lt3A = arith.cmpi slt, %mul3A_43, %reduce_max3A_19 : i32
      %convert_element_type3A_44 = arith.extui %lt3A : i1 to i32
      %cond3A_45 = arith.constant 0 : i32
      %cond3A_46 = arith.cmpi ne, %convert_element_type3A_44, %cond3A_45 : i32
      scf.if %cond3A_46 {
        %mul3A_47 = arith.constant 16 : i32
        %mul3A_48 = arith.muli %scan3A_41, %mul3A_47 : i32
        %broadcast_in_dim3A_49 = vector.broadcast %mul3A_48 : i32 to vector<16xi32>
        %add3A_50 = arith.addi %broadcast_in_dim3A_49, %iota3A : vector<16xi32>
        %add3A_51 = arith.addi %broadcast_in_dim3A_22, %add3A_50 : vector<16xi32>
        %mul3A_52 = arith.muli %broadcast_in_dim3A_26, %add3A_51 : vector<16xi32>
        %add3A_53 = arith.addi %broadcast_in_dim3A_29, %mul3A_52 : vector<16xi32>
        %lt3A_54 = arith.cmpi slt, %add3A_50, %scan3A_11 : vector<16xi32>
        %ge3A = arith.constant 0 : i32
        %ge3A_55 = vector.broadcast %ge3A : i32 to vector<16xi32>
        %ge3A_56 = arith.cmpi sge, %add3A_53, %ge3A_55 : vector<16xi32>
        %and3A_57 = arith.andi %lt3A_54, %ge3A_56 : vector<16xi1>
        %lt3A_58 = arith.constant 2048 : i32
        %lt3A_59 = vector.broadcast %lt3A_58 : i32 to vector<16xi32>
        %lt3A_60 = arith.cmpi slt, %add3A_53, %lt3A_59 : vector<16xi32>
        %and3A_61 = arith.andi %and3A_57, %lt3A_60 : vector<16xi1>
        %select_n3A = arith.select %and3A_61, %add3A_53, %add3A_34 : vector<16xi1>, vector<16xi32>
        %mul3A_62 = arith.constant 16 : i32
        %mul3A_63 = arith.muli %scan3A_41, %mul3A_62 : i32
        %dma_start3A = tpu.memref_slice %arg6[%mul3A_63] : memref<3200xi32, #tpu.memory_space<vmem>> -> memref<16xi32, #tpu.memory_space<vmem>>
        %dma_start3A_64 = arith.constant 0 : i32
        %dma_start3A_65 = tpu.memref_slice %arg4[%dma_start3A_64] : memref<2056xi32, #tpu.memory_space<hbm>> -> memref<2056xi32, #tpu.memory_space<hbm>>
        tpu.enqueue_indirect_dma source(%dma_start3A : memref<16xi32, #tpu.memory_space<vmem>>) target(%dma_start3A_65 : memref<2056xi32, #tpu.memory_space<hbm>>) offsets(%select_n3A : vector<16xi32>) semaphore(%arg9 : memref<!tpu.dma_semaphore, #tpu.memory_space<semaphore_mem>>)
        %dma_wait3A = tpu.memref_slice %arg6[%mul3A_63] : memref<3200xi32, #tpu.memory_space<vmem>> -> memref<16xi32, #tpu.memory_space<vmem>>
        %dma_wait3A_66 = arith.constant 0 : i32
        %dma_wait3A_67 = tpu.memref_slice %arg4[%dma_wait3A_66] : memref<2056xi32, #tpu.memory_space<hbm>> -> memref<2056xi32, #tpu.memory_space<hbm>>
        tpu.wait_indirect_dma semaphore(%arg9 : memref<!tpu.dma_semaphore, #tpu.memory_space<semaphore_mem>>) src(%dma_wait3A : memref<16xi32, #tpu.memory_space<vmem>>) dst(%dma_wait3A_67 : memref<2056xi32, #tpu.memory_space<hbm>>)
      } else {
      }
    }
    %scan3A_40 = arith.constant 200 : i32
    return
  }
}

module attributes {stable_mosaic.version = 14 : i64} {
  func.func @body(%arg0: memref<800x128xf32, #tpu.memory_space<vmem>>, %arg1: memref<1x128xf32, #tpu.memory_space<vmem>>) attributes {dimension_semantics = [], scalar_prefetch = 0 : i64, scratch_operands = 0 : i64, tpu.core_type = #tpu.core_type<tc>} {
    %get3A = arith.constant 0 : index
    %get3A_0 = arith.constant 0 : index
    %get3A_1 = vector.load %arg0[%get3A, %get3A_0] : memref<800x128xf32, #tpu.memory_space<vmem>>, vector<800x128xf32>
    %bitcast_convert_type3A = tpu.bitcast %get3A_1 : vector<800x128xf32> -> vector<800x128xi32>
    %ge3A = arith.constant 0 : i32
    %ge3A_2 = vector.broadcast %ge3A : i32 to vector<800x128xi32>
    %ge3A_3 = arith.cmpi sge, %bitcast_convert_type3A, %ge3A_2 : vector<800x128xi32>
    %xor3A = arith.constant -2147483648 : i32
    %xor3A_4 = vector.broadcast %xor3A : i32 to vector<800x128xi32>
    %xor3A_5 = arith.xori %bitcast_convert_type3A, %xor3A_4 : vector<800x128xi32>
    %not3A = arith.constant dense<-1> : vector<800x128xi32>
    %not3A_6 = arith.xori %bitcast_convert_type3A, %not3A : vector<800x128xi32>
    %select_n3A = arith.select %ge3A_3, %xor3A_5, %not3A_6 : vector<800x128xi1>, vector<800x128xi32>
    %scan3A = arith.constant 0 : i32
    %scan3A_7 = arith.constant 2048 : i32
    %scan3A_8 = arith.constant 0 : i32
    %scan3A_9 = arith.constant 32 : i32
    %scan3A_10 = arith.addi %scan3A_8, %scan3A_9 : i32
    %scan3A_11 = arith.constant 1 : i32
    %scan3A_12:2 = scf.for %scan3A_23 = %scan3A_8 to %scan3A_10 step %scan3A_11 iter_args(%scan3A_24 = %scan3A, %scan3A_25 = %scan3A_7) -> (i32, i32)  : i32 {
      %sub3A = arith.constant 31 : i32
      %sub3A_26 = arith.subi %sub3A, %scan3A_23 : i32
      %shift_left3A = arith.constant 1 : i32
      %shift_left3A_27 = arith.shli %shift_left3A, %sub3A_26 : i32
      %sub3A_28 = arith.constant 1 : i32
      %sub3A_29 = arith.subi %shift_left3A_27, %sub3A_28 : i32
      %not3A_30 = arith.constant -1 : i32
      %not3A_31 = arith.xori %sub3A_29, %not3A_30 : i32
      %or3A = arith.ori %scan3A_24, %shift_left3A_27 : i32
      %and3A = vector.broadcast %not3A_31 : i32 to vector<800x128xi32>
      %and3A_32 = arith.andi %select_n3A, %and3A : vector<800x128xi32>
      %eq3A = vector.broadcast %or3A : i32 to vector<800x128xi32>
      %eq3A_33 = arith.cmpi eq, %and3A_32, %eq3A : vector<800x128xi32>
      %convert_element_type3A = arith.extui %eq3A_33 : vector<800x128xi1> to vector<800x128xi32>
      %reduce_sum3A = vector.shape_cast %convert_element_type3A : vector<800x128xi32> to vector<1x800x128xi32>
      %reduce_sum3A_34 = arith.constant dense<0> : vector<1xi32>
      %reduce_sum3A_35 = vector.multi_reduction <add>, %reduce_sum3A, %reduce_sum3A_34 [1, 2] : vector<1x800x128xi32> to vector<1xi32>
      %reduce_sum3A_36 = vector.shape_cast %reduce_sum3A_35 : vector<1xi32> to vector<1x1x1xi32>
      %reduce_sum3A_37 = vector.extract %reduce_sum3A_36[0, 0, 0] : i32 from vector<1x1x1xi32>
      %ge3A_38 = arith.cmpi sge, %reduce_sum3A_37, %scan3A_25 : i32
      %select_n3A_39 = arith.select %ge3A_38, %or3A, %scan3A_24 : i32
      %sub3A_40 = arith.subi %scan3A_25, %reduce_sum3A_37 : i32
      %select_n3A_41 = arith.select %ge3A_38, %scan3A_25, %sub3A_40 : i32
      scf.yield %select_n3A_39, %select_n3A_41 : i32, i32
    }
    %scan3A_13 = arith.constant 32 : i32
    %lt3A = arith.constant 0 : i32
    %lt3A_14 = arith.cmpi slt, %scan3A_12#0, %lt3A : i32
    %xor3A_15 = arith.constant -2147483648 : i32
    %xor3A_16 = arith.xori %scan3A_12#0, %xor3A_15 : i32
    %not3A_17 = arith.constant -1 : i32
    %not3A_18 = arith.xori %scan3A_12#0, %not3A_17 : i32
    %select_n3A_19 = arith.select %lt3A_14, %xor3A_16, %not3A_18 : i32
    %bitcast_convert_type3A_20 = arith.bitcast %select_n3A_19 : i32 to f32
    %broadcast_in_dim3A = vector.broadcast %bitcast_convert_type3A_20 : f32 to vector<1x128xf32>
    %swap3A = arith.constant 0 : index
    %swap3A_21 = arith.constant 0 : index
    %swap3A_22 = vector.load %arg1[%swap3A, %swap3A_21] : memref<1x128xf32, #tpu.memory_space<vmem>>, vector<1x128xf32>
    tpu.vector_store %arg1[%swap3A, %swap3A_21], %broadcast_in_dim3A {strides = array<i32>} : memref<1x128xf32, #tpu.memory_space<vmem>>, vector<1x128xf32>,
    return
  }
}

module attributes {stable_mosaic.version = 14 : i64} {
  func.func @body(%arg0: i32, %arg1: memref<1024x128xf32, #tpu.memory_space<vmem>>, %arg2: memref<1024x128xf32, #tpu.memory_space<vmem>>, %arg3: memref<2048x128xf32, #tpu.memory_space<vmem>>, %arg4: memref<1024x1xi32, #tpu.memory_space<vmem>>, %arg5: memref<1x2048xi32, #tpu.memory_space<vmem>>, %arg6: memref<1024x1xf32, #tpu.memory_space<vmem>>, %arg7: memref<1x2048xf32, #tpu.memory_space<vmem>>, %arg8: memref<1x1xf32, #tpu.memory_space<vmem>>, %arg9: memref<2xf32, #tpu.memory_space<smem>>) attributes {dimension_semantics = [#tpu.dimension_semantics<arbitrary>], iteration_bounds = array<i64: 20>, scalar_prefetch = 0 : i64, scratch_operands = 1 : i64, tpu.core_type = #tpu.core_type<tc>, window_params = [{transform_indices = @transform_0, window_bounds = array<i64: 1024, 128>}, {transform_indices = @transform_1, window_bounds = array<i64: 1024, 128>}, {pipeline_mode = #tpu.pipeline_mode<synchronous>, transform_indices = @transform_2, window_bounds = array<i64: 2048, 128>}, {transform_indices = @transform_3, window_bounds = array<i64: 1024, 1>}, {pipeline_mode = #tpu.pipeline_mode<synchronous>, transform_indices = @transform_4, window_bounds = array<i64: 1, 2048>}, {transform_indices = @transform_5, window_bounds = array<i64: 1024, 1>}, {pipeline_mode = #tpu.pipeline_mode<synchronous>, transform_indices = @transform_6, window_bounds = array<i64: 1, 2048>}, {pipeline_mode = #tpu.pipeline_mode<synchronous>, transform_indices = @transform_7, window_bounds = array<i64: 1, 1>}]} {
    %get3A = arith.constant 0 : index
    %get3A_0 = arith.constant 0 : index
    %get3A_1 = vector.load %arg1[%get3A, %get3A_0] : memref<1024x128xf32, #tpu.memory_space<vmem>>, vector<1024x128xf32>
    %get3A_2 = arith.constant 0 : index
    %get3A_3 = arith.constant 0 : index
    %get3A_4 = vector.load %arg2[%get3A_2, %get3A_3] : memref<1024x128xf32, #tpu.memory_space<vmem>>, vector<1024x128xf32>
    %get3A_5 = arith.constant 0 : index
    %get3A_6 = arith.constant 0 : index
    %get3A_7 = vector.load %arg3[%get3A_5, %get3A_6] : memref<2048x128xf32, #tpu.memory_space<vmem>>, vector<2048x128xf32>
    %get3A_8 = arith.constant 0 : index
    %get3A_9 = arith.constant 0 : index
    %get3A_10 = vector.load %arg4[%get3A_8, %get3A_9] : memref<1024x1xi32, #tpu.memory_space<vmem>>, vector<1024x1xi32>
    %get3A_11 = arith.constant 0 : index
    %get3A_12 = arith.constant 0 : index
    %get3A_13 = vector.load %arg5[%get3A_11, %get3A_12] : memref<1x2048xi32, #tpu.memory_space<vmem>>, vector<1x2048xi32>
    %get3A_14 = arith.constant 0 : index
    %get3A_15 = arith.constant 0 : index
    %get3A_16 = vector.load %arg6[%get3A_14, %get3A_15] : memref<1024x1xf32, #tpu.memory_space<vmem>>, vector<1024x1xf32>
    %get3A_17 = arith.constant 0 : index
    %get3A_18 = arith.constant 0 : index
    %get3A_19 = vector.load %arg7[%get3A_17, %get3A_18] : memref<1x2048xf32, #tpu.memory_space<vmem>>, vector<1x2048xf32>
    %add3A = arith.constant 1.000000e-10 : f32
    %add3A_20 = vector.broadcast %add3A : f32 to vector<1x2048xf32>
    %add3A_21 = arith.addf %get3A_19, %add3A_20 : vector<1x2048xf32>
    %log3A = math.log %add3A_21 : vector<1x2048xf32>
    %neg3A = arith.constant 0.000000e+00 : f32
    %neg3A_22 = vector.broadcast %neg3A : f32 to vector<1x2048xf32>
    %neg3A_23 = arith.subf %neg3A_22, %log3A : vector<1x2048xf32>
    %convert_element_type3A = arith.truncf %get3A_1 : vector<1024x128xf32> to vector<1024x128xbf16>
    %convert_element_type3A_24 = arith.truncf %get3A_7 : vector<2048x128xf32> to vector<2048x128xbf16>
    %dot_general3A = arith.constant dense<0.000000e+00> : vector<1024x2048xf32>
    %dot_general3A_25 = tpu.matmul %convert_element_type3A, %convert_element_type3A_24, %dot_general3A {dimension_numbers = #tpu.dot_dimension_numbers<[1], [1], [0], [0], [0, 0, 1, 0], [], []>, transpose_lhs_hint = false} : vector<1024x128xbf16>, vector<2048x128xbf16>, vector<1024x2048xf32> -> vector<1024x2048xf32>
    %eq3A = vector.broadcast %get3A_10 : vector<1024x1xi32> to vector<1024x2048xi32>
    %eq3A_26 = vector.broadcast %get3A_13 : vector<1x2048xi32> to vector<1024x2048xi32>
    %eq3A_27 = arith.cmpi eq, %eq3A, %eq3A_26 : vector<1024x2048xi32>
    %sub3A = arith.constant 1.620000e+01 : f32
    %sub3A_28 = vector.broadcast %sub3A : f32 to vector<1x2048xf32>
    %sub3A_29 = arith.subf %neg3A_23, %sub3A_28 : vector<1x2048xf32>
    %add3A_30 = vector.broadcast %sub3A_29 : vector<1x2048xf32> to vector<1024x2048xf32>
    %add3A_31 = arith.addf %dot_general3A_25, %add3A_30 : vector<1024x2048xf32>
    %exp3A = math.exp %add3A_31 : vector<1024x2048xf32>
    %jit3A = arith.constant 0.000000e+00 : f32
    %broadcast_in_dim3A = vector.broadcast %jit3A : f32 to vector<1024x2048xf32>
    %select_n3A = arith.select %eq3A_27, %broadcast_in_dim3A, %exp3A : vector<1024x2048xi1>, vector<1024x2048xf32>
    %reduce_sum3A = arith.constant dense<0.000000e+00> : vector<1024xf32>
    %reduce_sum3A_32 = vector.multi_reduction <add>, %select_n3A, %reduce_sum3A [1] : vector<1024x2048xf32> to vector<1024xf32>
    %broadcast_in_dim3A_33 = vector.shape_cast %reduce_sum3A_32 : vector<1024xf32> to vector<1024x1xf32>
    %mul3A = arith.mulf %get3A_1, %get3A_4 : vector<1024x128xf32>
    %reduce_sum3A_34 = arith.constant dense<0.000000e+00> : vector<1024xf32>
    %reduce_sum3A_35 = vector.multi_reduction <add>, %mul3A, %reduce_sum3A_34 [1] : vector<1024x128xf32> to vector<1024xf32>
    %broadcast_in_dim3A_36 = vector.shape_cast %reduce_sum3A_35 : vector<1024xf32> to vector<1024x1xf32>
    %add3A_37 = arith.constant 1.000000e-10 : f32
    %add3A_38 = vector.broadcast %add3A_37 : f32 to vector<1024x1xf32>
    %add3A_39 = arith.addf %get3A_16, %add3A_38 : vector<1024x1xf32>
    %log3A_40 = math.log %add3A_39 : vector<1024x1xf32>
    %sub3A_41 = arith.subf %broadcast_in_dim3A_36, %log3A_40 : vector<1024x1xf32>
    %broadcast_in_dim3A_42 = arith.constant 1.620000e+01 : f32
    %broadcast_in_dim3A_43 = vector.broadcast %broadcast_in_dim3A_42 : f32 to vector<1024x1xf32>
    %sub3A_44 = arith.subf %sub3A_41, %broadcast_in_dim3A_43 : vector<1024x1xf32>
    %exp3A_45 = math.exp %sub3A_44 : vector<1024x1xf32>
    %add3A_46 = arith.addf %broadcast_in_dim3A_33, %exp3A_45 : vector<1024x1xf32>
    %log3A_47 = math.log %add3A_46 : vector<1024x1xf32>
    %add3A_48 = arith.addf %log3A_47, %broadcast_in_dim3A_43 : vector<1024x1xf32>
    %sub3A_49 = arith.subf %add3A_48, %sub3A_41 : vector<1024x1xf32>
    %ne3A = arith.constant 0 : i32
    %ne3A_50 = vector.broadcast %ne3A : i32 to vector<1024x1xi32>
    %ne3A_51 = arith.cmpi ne, %get3A_10, %ne3A_50 : vector<1024x1xi32>
    %jit3A_52 = arith.constant 0.000000e+00 : f32
    %broadcast_in_dim3A_53 = vector.broadcast %jit3A_52 : f32 to vector<1024x1xf32>
    %select_n3A_54 = arith.select %ne3A_51, %sub3A_49, %broadcast_in_dim3A_53 : vector<1024x1xi1>, vector<1024x1xf32>
    %reduce_sum3A_55 = vector.shape_cast %select_n3A_54 : vector<1024x1xf32> to vector<1x1024x1xf32>
    %reduce_sum3A_56 = arith.constant dense<0.000000e+00> : vector<1xf32>
    %reduce_sum3A_57 = vector.multi_reduction <add>, %reduce_sum3A_55, %reduce_sum3A_56 [1, 2] : vector<1x1024x1xf32> to vector<1xf32>
    %reduce_sum3A_58 = vector.shape_cast %reduce_sum3A_57 : vector<1xf32> to vector<1x1x1xf32>
    %reduce_sum3A_59 = vector.extract %reduce_sum3A_58[0, 0, 0] : f32 from vector<1x1x1xf32>
    %convert_element_type3A_60 = arith.extui %ne3A_51 : vector<1024x1xi1> to vector<1024x1xi32>
    %convert_element_type3A_61 = arith.sitofp %convert_element_type3A_60 : vector<1024x1xi32> to vector<1024x1xf32>
    %reduce_sum3A_62 = vector.shape_cast %convert_element_type3A_61 : vector<1024x1xf32> to vector<1x1024x1xf32>
    %reduce_sum3A_63 = arith.constant dense<0.000000e+00> : vector<1xf32>
    %reduce_sum3A_64 = vector.multi_reduction <add>, %reduce_sum3A_62, %reduce_sum3A_63 [1, 2] : vector<1x1024x1xf32> to vector<1xf32>
    %reduce_sum3A_65 = vector.shape_cast %reduce_sum3A_64 : vector<1xf32> to vector<1x1x1xf32>
    %reduce_sum3A_66 = vector.extract %reduce_sum3A_65[0, 0, 0] : f32 from vector<1x1x1xf32>
    %eq3A_67 = arith.constant 0 : i32
    %eq3A_68 = arith.cmpi eq, %arg0, %eq3A_67 : i32
    %convert_element_type3A_69 = arith.extui %eq3A_68 : i1 to i32
    %cond3A = arith.constant 0 : i32
    %cond3A_70 = arith.cmpi ne, %convert_element_type3A_69, %cond3A : i32
    scf.if %cond3A_70 {
      %swap3A_85 = arith.constant 0.000000e+00 : f32
      %swap3A_86 = arith.constant 0 : index
      %swap3A_87 = memref.load %arg9[%swap3A_86] : memref<2xf32, #tpu.memory_space<smem>>
      memref.store %swap3A_85, %arg9[%swap3A_86] : memref<2xf32, #tpu.memory_space<smem>>
      %swap3A_88 = arith.constant 0.000000e+00 : f32
      %swap3A_89 = arith.constant 1 : index
      %swap3A_90 = memref.load %arg9[%swap3A_89] : memref<2xf32, #tpu.memory_space<smem>>
      memref.store %swap3A_88, %arg9[%swap3A_89] : memref<2xf32, #tpu.memory_space<smem>>
    } else {
    }
    %get3A_71 = arith.constant 0 : index
    %get3A_72 = memref.load %arg9[%get3A_71] : memref<2xf32, #tpu.memory_space<smem>>
    %add3A_73 = arith.addf %get3A_72, %reduce_sum3A_59 : f32
    %swap3A = arith.constant 0 : index
    %swap3A_74 = memref.load %arg9[%swap3A] : memref<2xf32, #tpu.memory_space<smem>>
    memref.store %add3A_73, %arg9[%swap3A] : memref<2xf32, #tpu.memory_space<smem>>
    %get3A_75 = arith.constant 1 : index
    %get3A_76 = memref.load %arg9[%get3A_75] : memref<2xf32, #tpu.memory_space<smem>>
    %add3A_77 = arith.addf %get3A_76, %reduce_sum3A_66 : f32
    %swap3A_78 = arith.constant 1 : index
    %swap3A_79 = memref.load %arg9[%swap3A_78] : memref<2xf32, #tpu.memory_space<smem>>
    memref.store %add3A_77, %arg9[%swap3A_78] : memref<2xf32, #tpu.memory_space<smem>>
    %eq3A_80 = arith.constant 19 : i32
    %eq3A_81 = arith.cmpi eq, %arg0, %eq3A_80 : i32
    %convert_element_type3A_82 = arith.extui %eq3A_81 : i1 to i32
    %cond3A_83 = arith.constant 0 : i32
    %cond3A_84 = arith.cmpi ne, %convert_element_type3A_82, %cond3A_83 : i32
    scf.if %cond3A_84 {
      %get3A_85 = arith.constant 0 : index
      %get3A_86 = memref.load %arg9[%get3A_85] : memref<2xf32, #tpu.memory_space<smem>>
      %get3A_87 = arith.constant 1 : index
      %get3A_88 = memref.load %arg9[%get3A_87] : memref<2xf32, #tpu.memory_space<smem>>
      %div3A = arith.divf %get3A_86, %get3A_88 : f32
      %broadcast_in_dim3A_89 = vector.broadcast %div3A : f32 to vector<1x1xf32>
      %swap3A_90 = arith.constant 0 : index
      %swap3A_91 = arith.constant 0 : index
      %swap3A_92 = vector.load %arg8[%swap3A_90, %swap3A_91] : memref<1x1xf32, #tpu.memory_space<vmem>>, vector<1x1xf32>
      tpu.vector_store %arg8[%swap3A_90, %swap3A_91], %broadcast_in_dim3A_89 {strides = array<i32>} : memref<1x1xf32, #tpu.memory_space<vmem>>, vector<1x1xf32>,
    } else {
    }
    return
  }
  func.func @transform_0(%arg0: i32) -> (i32, i32) {
    %c0_i32 = arith.constant 0 : i32
    %c0_i32_0 = arith.constant 0 : i32
    return %arg0, %c0_i32 : i32, i32
  }
  func.func @transform_1(%arg0: i32) -> (i32, i32) {
    %c0_i32 = arith.constant 0 : i32
    %c0_i32_0 = arith.constant 0 : i32
    return %arg0, %c0_i32 : i32, i32
  }
  func.func @transform_2(%arg0: i32) -> (i32, i32) {
    %c0_i32 = arith.constant 0 : i32
    %c0_i32_0 = arith.constant 0 : i32
    %c0_i32_1 = arith.constant 0 : i32
    return %c0_i32, %c0_i32_0 : i32, i32
  }
  func.func @transform_3(%arg0: i32) -> (i32, i32) {
    %c0_i32 = arith.constant 0 : i32
    %c0_i32_0 = arith.constant 0 : i32
    return %arg0, %c0_i32 : i32, i32
  }
  func.func @transform_4(%arg0: i32) -> (i32, i32) {
    %c0_i32 = arith.constant 0 : i32
    %c0_i32_0 = arith.constant 0 : i32
    %c0_i32_1 = arith.constant 0 : i32
    return %c0_i32, %c0_i32_0 : i32, i32
  }
  func.func @transform_5(%arg0: i32) -> (i32, i32) {
    %c0_i32 = arith.constant 0 : i32
    %c0_i32_0 = arith.constant 0 : i32
    return %arg0, %c0_i32 : i32, i32
  }
  func.func @transform_6(%arg0: i32) -> (i32, i32) {
    %c0_i32 = arith.constant 0 : i32
    %c0_i32_0 = arith.constant 0 : i32
    %c0_i32_1 = arith.constant 0 : i32
    return %c0_i32, %c0_i32_0 : i32, i32
  }
  func.func @transform_7(%arg0: i32) -> (i32, i32) {
    %c0_i32 = arith.constant 0 : i32
    %c0_i32_0 = arith.constant 0 : i32
    %c0_i32_1 = arith.constant 0 : i32
    return %c0_i32, %c0_i32_0 : i32, i32
  }
}

</mosaic_0001>

<sc_bundles>
// kernel: kernel.6.cloned.1.call-start
scs
__scs_entry_jumppad:
0x0: {  	(pc) =	sbr.rel $0x88, $3  }
0x1: {  	(tag) =	ssettag $0x0;
	lr =	simm.s32 $0x1  }
0x2: {  	[smem:$0x3F9D] =	sst lr;
	_ =	strace $0xD0000000  }
0x3: {  	_ = 	snop  }
0x4: {  	_ = 	snop  }
0x5: {  	_ = 	snop  }
0x6: {  	_ = 	snop  }
0x7: {  	_ = 	snop  }
__scs_overlays_trampoline_lowered:
0x8: {  	[smem:$0x3FAC] =	sst s0  }
0x9: {  	[smem:$0x3FAD] =	sst s1  }
0xa: {  	[smem:$0x3FAE] =	sst s2  }
0xb: {  	[smem:$0x3FAF] =	sst s3  }
0xc: {  	[smem:$0x3FB0] =	sst s4  }
0xd: {  	[smem:$0x3FB1] =	sst s5  }
0xe: {  	[smem:$0x3FB2] =	sst s6  }
0xf: {  	[smem:$0x3FB3] =	sst s7  }
0x10: {  	[smem:$0x3FB4] =	sst s8  }
0x11: {  	[smem:$0x3FB5] =	sst s9;
	s0 =	simm.s32 @!p0 $0x0  }
0x12: {  	s1 =	sld [smem:$0x3F9B];
	s0 =	simm.s32 @p0 $0x1  }
0x13: {  	[smem:$0x3FB6] =	sst s0;
	s0 =	simm.s32 @!p1 $0x0  }
0x14: {  	s2 =	sld [smem:$0x3F9A];
	s0 =	simm.s32 @p1 $0x1  }
0x15: {  	[smem:$0x3FB7] =	sst s0;
	s0 =	simm.s32 @!p2 $0x0  }
0x16: {  	s3 =	sld [smem:$0x3FDB];
	s0 =	simm.s32 @p2 $0x1  }
0x17: {  	s4 =	simm.s32 $0x1BF5;
	[smem:$0x3FB9] =	sst s0  }
0x18: {  	s0 =	sld [smem:$0x3F9C];
	_ =	swait.ge [sflag:s4], $0x0  }
0x19: {  	s7 =	sld [smem:$0x3F9D]  }
0x1a: {  	s8 =	sadd.s32 $0xFFFFE003, lr  }
0x1b: {  	s9 =	sadd.s32 $0xFFFFFEF7, lr;
	s5 =	simm.s32 $0xFFFFFFFF;
	p2 =	slt.u32 s8, $0xFFFFF086  }
0x1c: {  	p1 =	slt.u32 s9, $0xF7A;
	s5 =	simm.s32 @!p2 $0x0  }
0x1d: {  	s5 =	simm.s32 @p1 $0x1;
	p0 =	seq.s32 s7, s2  }
0x1e: {  	s7 =	smul.u32 @!p0 $0xF7A, s2;
	p2 =	seq.s32 @!p0 s5, $0x0  }
0x1f: {  	s9 =	smul.u32 $0xF7A, s1;
	s8 =	simm.s32 @!p0 $0x1BF5;
	p2 =	por !p2, p0  }
0x20: {  	[sflag:s8] =	ssyncset.s32 @!p0 $0xFFFFF086;
	s6 =	sadd.s32 @!p0 s3, s7;
	s7 =	simm.s32 @!p0 $0x108  }
0x21: {  	s3 =	sadd.s32 s3, s9;
	s6 =	sadd.s32 @!p0 $0x88, s6;
	s7 =	simm.s32 @p2 $0x1082  }
0x22: {  	[simem:s7], [sflag:s8] =	dma.local @!p0 [hbm:s6], $0xF7A  }
0x23: {  	s9 =	sor.u32 $0xD0000000, s2;
	s6 =	simm.s32 $0x108;
	_ =	swait.ge @!p0 [sflag:s8], $0x0  }
0x24: {  	s3 =	sadd.s32 $0x88, s3;
	s6 =	simm.s32 @!p1 $0x1082;
	[sflag:s4] =	ssyncset.s32 $0xFFFFF086  }
0x25: {  	[simem:s6], [sflag:s4] =	dma.local [hbm:s3], $0xF7A  }
0x26: {  	[smem:$0x3F9D] =	sst s1;
	(tag) =	ssettag s2;
	_ =	strace s9  }
0x27: {  	s1 =	sld [smem:$0x3FAD]  }
0x28: {  	s2 =	sld [smem:$0x3FAE]  }
0x29: {  	s4 =	sld [smem:$0x3FB0]  }
0x2a: {  	p0 =	seq.s32 s5, $0x0;
	s5 =	sld [smem:$0x3FB1]  }
0x2b: {  	s6 =	sld [smem:$0x3FB2]  }
0x2c: {  	s7 =	sld [smem:$0x3FB3]  }
0x2d: {  	s3 =	simm.s32 $0x108;
	s8 =	sld [smem:$0x3FB4]  }
0x2e: {  	s3 =	simm.s32 @!p0 $0x1082;
	s9 =	sld [smem:$0x3FB5]  }
0x2f: {  	lr =	sadd.s32 s0, s3;
	s0 =	sld [smem:$0x3FAC]  }
0x30: {  	s3 =	sld [smem:$0x3FAF]  }
0x31: {  	[smem:$0x3FB8] =	sst s10  }
0x32: {  	s10 =	sld [smem:$0x3FB6];
	_ =	sdelay $0x3  }
0x33: {  	p0 =	seq.s32 s10, $0x1;
	s10 =	sld [smem:$0x3FB8];
	_ =	sdelay $0x3  }
0x34: {  	[smem:$0x3FB8] =	sst s10  }
0x35: {  	s10 =	sld [smem:$0x3FB7];
	_ =	sdelay $0x3  }
0x36: {  	p1 =	seq.s32 s10, $0x1;
	s10 =	sld [smem:$0x3FB8];
	_ =	sdelay $0x3  }
0x37: {  	[smem:$0x3FB8] =	sst s10  }
0x38: {  	s10 =	sld [smem:$0x3FB9]  }
0x39: {  	_ = 	snop;
	(pc) =	sbr.ind lr, $3  }
0x3a: {  	_ = 	snop  }
0x3b: {  	_ = 	snop  }
0x3c: {  	p2 =	seq.s32 s10, $0x1;
	s10 =	sld [smem:$0x3FB8]  }
0x3d: {  	_ =	shalt  }
0x3e: {  	_ =	shalt  }
0x3f: {  	_ =	shalt  }
0x40: {  	_ =	shalt  }
0x41: {  	_ =	shalt  }
0x42: {  	_ =	shalt  }
0x43: {  	_ =	shalt  }
0x44: {  	_ =	shalt  }
0x45: {  	_ =	shalt  }
0x46: {  	_ =	shalt  }
0x47: {  	_ =	shalt  }
0x48: {  	_ =	shalt  }
0x49: {  	_ =	shalt  }
0x4a: {  	_ =	shalt  }
0x4b: {  	_ =	shalt  }
0x4c: {  	_ =	shalt  }
0x4d: {  	_ =	shalt  }
0x4e: {  	_ =	shalt  }
0x4f: {  	_ =	shalt  }
0x50: {  	_ =	shalt  }
0x51: {  	_ =	shalt  }
0x52: {  	_ =	shalt  }
0x53: {  	_ =	shalt  }
0x54: {  	_ =	shalt  }
0x55: {  	_ =	shalt  }
0x56: {  	_ =	shalt  }
0x57: {  	_ =	shalt  }
0x58: {  	_ =	shalt  }
0x59: {  	_ =	shalt  }
0x5a: {  	_ =	shalt  }
0x5b: {  	_ =	shalt  }
0x5c: {  	_ =	shalt  }
0x5d: {  	_ =	shalt  }
0x5e: {  	_ =	shalt  }
0x5f: {  	_ =	shalt  }
0x60: {  	_ =	shalt  }
0x61: {  	_ =	shalt  }
0x62: {  	_ =	shalt  }
0x63: {  	_ =	shalt  }
0x64: {  	_ =	shalt  }
0x65: {  	_ =	shalt  }
0x66: {  	_ =	shalt  }
0x67: {  	_ =	shalt  }
0x68: {  	_ =	shalt  }
0x69: {  	_ =	shalt  }
0x6a: {  	_ =	shalt  }
0x6b: {  	_ =	shalt  }
0x6c: {  	_ =	shalt  }
0x6d: {  	_ =	shalt  }
0x6e: {  	_ =	shalt  }
0x6f: {  	_ =	shalt  }
0x70: {  	_ =	shalt  }
0x71: {  	_ =	shalt  }
0x72: {  	_ =	shalt  }
0x73: {  	_ =	shalt  }
0x74: {  	_ =	shalt  }
0x75: {  	_ =	shalt  }
0x76: {  	_ =	shalt  }
0x77: {  	_ =	shalt  }
0x78: {  	_ =	shalt  }
0x79: {  	_ =	shalt  }
0x7a: {  	_ =	shalt  }
0x7b: {  	_ =	shalt  }
0x7c: {  	_ =	shalt  }
0x7d: {  	_ =	shalt  }
0x7e: {  	_ =	shalt  }
0x7f: {  	_ =	shalt  }
0x80: {  	_ =	shalt  }
0x81: {  	_ =	shalt  }
0x82: {  	_ =	shalt  }
0x83: {  	_ =	shalt  }
0x84: {  	_ =	shalt  }
0x85: {  	_ =	shalt  }
0x86: {  	_ =	shalt  }
0x87: {  	_ =	shalt  }
.Lfunc_end0:
.L_simem_size_0:
called_computation_lowered:
.L_overlay_start_0:
0x88: {  	s2 =	sld [smem:$0x3FD9]  }
0x89: {  	s3 =	sld [smem:$0x3FFE];
	_ =	sdelay $0x1  }
0x8a: {  	s1 =	srdreg.scid  }
0x8b: {  	s0 =	sand.u32 $0x1, s1  }
0x8c: {  	s17 =	sshll.u32 s0, $0xA;
	s2 =	sadd.s32 s3, s2  }
0x8d: {  	s2 =	sadd.s32 s2, s17  }
0x8e: {  	[smem:$0x3FC4] =	sst s2  }
0x8f: {  	_ = 	snop  }
0x90: {  	s2 =	sld [smem:$0x3FD0];
	(tm) =	ssettm $0x1  }
0x91: {  	s18 =	sld [smem:$0x3FFB];
	_ =	sdelay $0x3  }
0x92: {  	_ =	strace s18  }
0x93: {  	s3 =	sld [smem:$0x3FFC];
	_ =	sdelay $0x3  }
0x94: {  	_ =	strace s3  }
0x95: {  	s3 =	sld [smem:$0x3FFD];
	_ =	sdelay $0x3  }
0x96: {  	_ =	strace s3  }
0x97: {  	_ =	strace $0x8FFFFFFF  }
0x98: {  	s19 =	sld [smem:$0x3FDB];
	_ =	sdelay $0x1  }
0x99: {  	s4 =	simm.s32 $_scs_section_size  }
0x9a: {  	s5 =	simm.s32 $_size__tile_overlayer_lowered;
	s6 =	simm.s32 $_tile_overlayer_lowered  }
0x9b: {  	s22 =	simm.s32 $0x1BFF;
	s21 =	sshll.u32 s6, $0x1;
	s3 =	sadd.s32 s4, s19  }
0x9c: {  	s7 =	simm.s32 $0x0;
	s20 =	sshll.u32 s5, $0x1;
	s5 =	sadd.s32 s21, s3  }
0x9d: {  	[timem:s7], [sflag:s22] =	dma.local [hbm:s5], s20  }
0x9e: {  	_ =	swait.ge [sflag:s22], s20  }
0x9f: {  	s4 =	ssub.s32 $0x0, s20;
	[sflag:s22] =	ssyncset.done $0x0  }
0xa0: {  	[sflag:s22] =	ssyncadd.s32 s4;
	_ =	sdelay $0x1  }
0xa1: {  	s23 =	simm.s32 $0x1B8B  }
0xa2: {  	_ =	swait.ge [sflag:s23], $0x1  }
0xa3: {  	[sflag:s23] =	ssyncset.done $0x0  }
0xa4: {  	s25 =	simm.s32 $0x1B8E;
	s24 =	sld [smem:$0x3FFE];
	[sflag:s23] =	ssyncadd.s32 $0xFFFFFFFF  }
0xa5: {  	s26 =	simm.s32 $execute0_lowered;
	[smem:$0x3FD2] =	sst s25  }
0xa6: {  	s5 =	sshll.u32 s26, $0x1;
	_ =	strace $0x80000046;
	[dreg:$0x1] =	wrdreg $0xFFFFFFFF  }
0xa7: {  	s28 =	simm.s32 $_size_execute0_lowered;
	s3 =	sadd.s32 s3, s5;
	[dreg:$0x0] =	wrdreg $0x0  }
0xa8: {  	s5 =	sshll.u32 s28, $0x1;
	[dreg:$0x2] =	wrdreg s3  }
0xa9: {  	[dreg:$0x3] =	wrdreg s5  }
0xaa: {  	[dreg:$0x4] =	wrdreg $0xC0  }
0xab: {  	_ =	task [dreg:s7], $0x5FFFF  }
0xac: {  	[dreg:$0x1] =	wrdreg $0xFFFFFFFF  }
0xad: {  	[dreg:$0x0] =	wrdreg $0x60  }
0xae: {  	[dreg:$0x2] =	wrdreg s24  }
0xaf: {  	[dreg:$0x3] =	wrdreg s2  }
0xb0: {  	[dreg:$0x4] =	wrdreg $0x9  }
0xb1: {  	_ =	task.clear_ibuf [dreg:s7], $0x5FFFF;
	_ =	strace $0x90000046  }
0xb2: {  	s29 =	simm.s32 $0x9;
	_ =	strace $0x80000048  }
0xb3: {  	_ =	swait.ge [sflag:s29], $0x1  }
0xb4: {  	[sflag:s29] =	ssyncadd.s32 $0xFFFFFFFF  }
0xb5: {  	_ =	strace $0x90000048  }
0xb6: {  	_ =	sfence  }
0xb7: {  	s30 =	sld [smem:$0x0];
	_ =	sdelay $0x2  }
0xb8: {  	s31 =	sshll.u32 s1, $0xD;
	s1 =	sshrl.u32 s1, $0x2  }
0xb9: {  	s3 =	sand.u32 $0x4000, s31;
	s1 =	sadd.s32 s1, s30  }
0xba: {  	s0 =	sor.u32 s3, s0;
	s1 =	sshll.u32 s1, $0x11  }
0xbb: {  	s0 =	sor.u32 s1, s0  }
0xbc: {  	s0 =	sadd.s32 $0x8F2B, s0  }
0xbd: {  	[sflag:s0] =	ssyncadd.remote.s32 $0x1  }
0xbe: {  	_ =	sfence.sel $0xFFFF  }
0xbf: {  	[dreg:$0x0] =	wrdreg $0xFFFFFFFF;
	(pc) =	sbr.abs _section_cstart, $3  }
0xc0: {  	[dreg:$0x1] =	wrdreg $0xFFFFFFFF  }
0xc1: {  	_ =	task.clear_ibuf [dreg:s7], $0x2FFFF;
	_ =	strace $0x9FFFFFFF  }
0xc2: {  	(tm) =	ssettm $0x7FFFFFFF  }
0xc3: {  	_ =	shalt  }
tec
execute0_lowered:
.L_overlay_start_1:
0x0: {  	(tag) =	ssettag $0x1  }
0x1: {  	s0 =	srdreg.scid;
	s4 =	rddreg [dreg:$0x0]  }
0x2: {  	s7 =	stileid.u32;
	s1 =	rddreg [dreg:$0x1];
	s2 =	simm.s32 $0x0  }
0x3: {  	s11 =	simm.s32 $0x0;
	s6 =	sand.u32 $0x1, s0;
	[smem:$0x7FF] =	sst s2  }
0x4: {  	p0 =	sne.s32 s7, $0x0;
	s0 =	sshll.u32 s6, $0x4;
	s8 =	ssub.s32 $0x2, s6  }
0x5: {  	s31 =	sshll.u32 s6, $0x1;
	s10 =	smul.u32 $0x7FF, s6;
	s3 =	sor.u32 s7, s0  }
0x6: {  	s0 =	rddreg [dreg:$0x2];
	s9 =	sshrl.u32 s8, $0x1;
	s3 =	smul.u32 $0xC80, s3  }
0x7: {  	_ =	strace $0x80000047;
	s7 =	simm.s32 $0x3;
	s8 =	ssub.s32 s8, s9  }
0x8: {  	s9 =	ssub.s32 $0x1, s31;
	v1 =	vmov s10;
	s10 =	simm.s32 $0x2;
	s5 =	sshrl.u32 s3, $0x3  }
0x9: {  	s6 =	smax.u32 s8, $0x1;
	s8 =	simm.s32 $0x1900;
	s5 =	sadd.s32 s5, s4  }
0xa: {  	v2 =	vimm.s32 $0x0;
	v3 =	vlaneseq.u32;
	v0 =	vmov s9;
	s9 =	simm.s32 $0xC80;
	s4 =	sadd.s32 $0x5000, s4;
	s5 =	sadd.s32 $0x1E00, s5  }
.LBB2_1:
0xb: {  	[tilespmem:s2], [sflag:$0x3] =	stream.linear.gather [hbm4b:s5+s2], $0xC80, $0x38;
	[tilespmem:$0x1980] =	vst v63  }
0xc: {  	_ =	swait.ge [sflag:s7], $0xC80  }
0xd: {  	[sflag:s7] =	ssyncset.done $0x0  }
0xe: {  	[sflag:s7] =	ssyncadd.s32 $0xFFFFF380  }
0xf: {  	[tilespmem:s8], [sflag:$0x3] =	stream.linear.gather [hbm4b:s1+s2], $0x10, $0x38;
	[tilespmem:$0x1980] =	vst v63  }
0x10: {  	_ =	swait.ge [sflag:s7], $0x10  }
0x11: {  	[sflag:s7] =	ssyncset.done $0x0  }
0x12: {  	s12 =	simm.s32 @!p0 $0x0;
	[sflag:s7] =	ssyncadd.s32 $0xFFFFFFF0  }
0x13: {  	[smem:$0x0] =	sst @!p0 s12  }
0x14: {  	[bflag:$0x0] =	sbarrier.arrive $0xFFFF  }
0x15: {  	v4 =	vld [tilespmem:$0x1900]  }
0x16: {  	s13 =	simm.s32 $0x10;
	v6 =	vimm.s32 $0x0;
	v5 =	vimm.s32 $0x0;
	s14 =	simm.s32 $0x0;
	s12 =	simm.s32 $0x0;
	v7 =	vld [tilespmem:s2+$0x0]  }
.LBB2_2:
0x17: {  	p1 =	sne.s32 s13, $0xC70;
	_ =	sdelay $0x3  }
0x18: {  	vm0 =	vge.f32 v7, v4  }
0x19: {  	v7 =	vsel vm0, $0x1, v2;
	v8 =	vmpcnt.ones.xlane vm0  }
0x1a: {  	(xrf0) =	vadd.scan.msk.s32 $0xffff, v7  }
0x1b: {  	v6 =	vadd.s32 v6, v8;
	_ =	sdelay $0x3  }
0x1c: {  	v7 =	vsel vm0, $0xFFFFFFFF, v2  }
0x1d: {  	v7 =	vadd.s32 v7, v5;
	v5 =	vmov v6;
	v8, _, _ =	vpop (xrf0)  }
0x1e: {  	v7 =	vadd.s32 v8, v7;
	_ =	sdelay $0x1  }
.Ltmp0:
0x1f: {  	(pc) =	sbr.rel @p1 .LBB2_2-.Ltmp0, $4  }
0x20: {  	s15 =	sadd.s32 s3, s12;
	s12 =	smov.u32 s13  }
0x21: {  	v8 =	vor.u32 s15, v3  }
0x22: {  	s14 =	sadd.s32 $0x10, s14;
	[tilespmem:v7+s9+$0x0] =	vst.idx.msk vm0, v8  }
0x23: {  	s13 =	sadd.s32 $0x10, s13;
	v7 =	vld [tilespmem:s14+$0x0]  }
0x24: {  	_ =	sdelay $0x3  }
0x25: {  	vm0 =	vge.f32 v7, v4  }
0x26: {  	v4 =	vmpcnt.ones.xlane vm0;
	_ =	sdelay $0x1  }
0x27: {  	v7 =	vsel vm0, $0x1, v2;
	v4 =	vadd.s32 v6, v4  }
0x28: {  	(xrf0) =	vadd.scan.msk.s32 $0xffff, v7;
	v6 =	vxor.u32 $0x80000000, v4  }
0x29: {  	(xrf0) =	vmax.scan.msk.u32 $0xffff, v6;
	_ =	sdelay $0x4  }
0x2a: {  	v6, _, _ =	vpop (xrf0)  }
0x2b: {  	v7, _, _ =	vpop (xrf0)  }
0x2c: {  	(v2sf) =	vpush v7, $0xF;
	_ =	sdelay $0x8  }
0x2d: {  	v7 =	vsel vm0, $0xFFFFFFFF, v2  }
0x2e: {  	v5 =	vadd.s32 v7, v5  }
0x2f: {  	v5 =	vadd.s32 v6, v5;
	_ =	sdelay $0x2  }
0x30: {  	s12 =	sadd.s32 s3, s12  }
0x31: {  	v6 =	vor.u32 s12, v3;
	s31 =	spop (v2sf)  }
0x32: {  	s13 =	simm.s32 $0x0;
	[tilespmem:v5+s9+$0x0] =	vst.idx.msk vm0, v6;
	[sflag:s10] =	ssyncset.done $0x0;
	s12 =	sxor.u32 $0x80000000, s31  }
0x33: {  	[smem:s13], [sflag:$0x2] =	smem.add.s32 s12  }
0x34: {  	_ =	swait.done [sflag:s10]  }
0x35: {  	s14 =	ssyncread [sflag:$0x2]  }
0x36: {  	p2 =	sle.s32 s12, $0x0  }
0x37: {  	v6 =	vlaneseq.u32 @!p2  }
0x38: {  	v7 =	vor.u32 @!p2 s13, v6;
	v5 =	vmov s14  }
0x39: {  	v8 =	vadd.s32 @!p2 v5, v7  }
0x3a: {  	v8 =	vmul.u32 @!p2 v0, v8  }
0x3b: {  	p1 =	por p2, p2  }
0x3c: {  	v8 =	vadd.s32 @!p1 v1, v8  }
0x3d: {  	p3 =	sle.s32 s12, $0x10;
	v6 =	vand.u32 @!p2 $0x7, v6;
	vm0 =	vlt.s32 @!p2 v7, v4;
	vm1 =	vlt.u32 @!p1 v8, $0x800  }
0x3e: {  	s13 =	simm.s32 $0x10;
	v6 =	vor.u32 @!p2 $0x800, v6;
	v7 =	vlaneseq.u32 @!p3;
	vm0 =	vmand @!p1 vm0, vm1  }
0x3f: {  	v9 =	vor.u32 @!p3 s13, v7;
	v6 =	vsel @!p1 vm0, v8, v6  }
0x40: {  	[sflag:s10] =	ssyncset.s32 $0x0;
	v8 =	vadd.s32 @!p3 v5, v9  }
0x41: {  	[sflag:s10] =	ssyncset.done $0x0;
	s14 =	simm.s32 $0x20;
	v7 =	vand.u32 @!p3 $0x7, v7;
	v8 =	vmul.u32 @!p3 v0, v8  }
0x42: {  	p2 =	por p1, p1;
	v7 =	vor.u32 @!p3 $0x800, v7;
	vm0 =	vlt.s32 @!p3 v9, v4;
	p1 =	por p3, p3;
	p3 =	sle.s32 s12, $0x20  }
0x43: {  	s13 =	simm.s32 $0xC80;
	s16 =	simm.s32 @!p2 $0x0;
	s15 =	simm.s32 @!p2 $0x1;
	vm1 =	vmmov @!p2 $0xffff;
	v9 =	vlaneseq.u32 @!p3;
	v8 =	vadd.s32 @!p1 v1, v8  }
0x44: {  	v10 =	vor.u32 @!p3 s14, v9;
	v9 =	vand.u32 @!p3 $0x7, v9;
	vm2 =	vlt.u32 @!p1 v8, $0x800;
	[hbm4b:s4+s16] =	stream.indirect_vreg.scatter @!p2 [tilespmem:s13], [sflag:$0x1], $0x1, v6, vm1, $0xb8;
	[tilespmem:$0x1980] =	vst v63  }
0x45: {  	v11 =	vadd.s32 @!p3 v5, v10;
	vm1 =	vmand @!p1 vm0, vm2;
	vm0 =	vlt.s32 @!p3 v10, v4;
	_ =	swait.ge @!p2 [sflag:s15], $0x10  }
0x46: {  	s14 =	simm.s32 $0x30;
	v6 =	vsel @!p1 vm1, v8, v7;
	v8 =	vmul.u32 @!p3 v0, v11;
	v7 =	vor.u32 @!p3 $0x800, v9;
	[sflag:s15] =	ssyncset.done @!p2 $0x0  }
.LBB2_4:
0x47: {  	[sflag:s15] =	ssyncadd.s32 @!p2 $0xFFFFFFF0  }
0x48: {  	s13 =	sadd.s32 $0x10, s13;
	s16 =	smov.u32 s14;
	s14 =	sadd.s32 $0x10, s14  }
0x49: {  	p2 =	por p1, p1;
	p1 =	por p3, p3;
	p4 =	sne.s32 s14, $0xC80  }
.Ltmp1:
0x4a: {  	p3 =	sge.s32 s16, s12;
	v8 =	vadd.s32 @!p1 v1, v8;
	(pc) =	sbr.rel @p4 .LBB2_4-.Ltmp1, $4  }
0x4b: {  	vm2 =	vmmov @!p2 $0xffff;
	s17 =	simm.s32 @!p2 $0x0;
	s15 =	simm.s32 @!p2 $0x1;
	v9 =	vlaneseq.u32 @!p3;
	vm1 =	vlt.u32 @!p1 v8, $0x800  }
0x4c: {  	v10 =	vor.u32 @!p3 s16, v9;
	v9 =	vand.u32 @!p3 $0x7, v9;
	vm1 =	vmand @!p1 vm0, vm1;
	[hbm4b:s4+s17] =	stream.indirect_vreg.scatter @!p2 [tilespmem:s13], [sflag:$0x1], $0x1, v6, vm2, $0xb8;
	[tilespmem:$0x1980] =	vst v63  }
0x4d: {  	v11 =	vadd.s32 @!p3 v5, v10;
	vm0 =	vlt.s32 @!p3 v10, v4;
	v6 =	vsel @!p1 vm1, v8, v7;
	_ =	swait.ge @!p2 [sflag:s15], $0x10  }
0x4e: {  	v7 =	vor.u32 @!p3 $0x800, v9;
	v8 =	vmul.u32 @!p3 v0, v11;
	[sflag:s15] =	ssyncset.done @!p2 $0x0  }
0x4f: {  	p3 =	por p3, p3  }
0x50: {  	v4 =	vadd.s32 @!p3 v1, v8  }
0x51: {  	[sflag:s15] =	ssyncadd.s32 @!p2 $0xFFFFFFF0;
	p1 =	por p1, p1;
	vm1 =	vlt.u32 @!p3 v4, $0x800  }
0x52: {  	s12 =	sadd.s32 $0x10, s13;
	vm2 =	vmmov @!p1 $0xffff;
	s13 =	simm.s32 @!p1 $0x0;
	s14 =	simm.s32 @!p1 $0x1;
	vm0 =	vmand @!p3 vm0, vm1  }
0x53: {  	[hbm4b:s4+s13] =	stream.indirect_vreg.scatter @!p1 [tilespmem:s12], [sflag:$0x1], $0x1, v6, vm2, $0xb8;
	v4 =	vsel @!p3 vm0, v4, v7;
	[tilespmem:$0x1980] =	vst v63  }
0x54: {  	s11 =	sadd.s32 $0x1, s11;
	_ =	swait.ge @!p1 [sflag:s14], $0x10  }
0x55: {  	p2 =	sne.s32 s11, s6;
	[sflag:s14] =	ssyncset.done @!p1 $0x0  }
0x56: {  	s12 =	sadd.s32 $0x10, s12;
	[sflag:s14] =	ssyncadd.s32 @!p1 $0xFFFFFFF0;
	p1 =	por p3, p3  }
.Ltmp2:
0x57: {  	vm0 =	vmmov @!p1 $0xffff;
	s13 =	simm.s32 @!p1 $0x0;
	s14 =	simm.s32 @!p1 $0x1;
	(pc) =	sbr.rel @p2 .LBB2_1-.Ltmp2, $4  }
0x58: {  	[hbm4b:s4+s13] =	stream.indirect_vreg.scatter @!p1 [tilespmem:s12], [sflag:$0x1], $0x1, v4, vm0, $0xb8;
	[tilespmem:$0x1980] =	vst v63  }
0x59: {  	_ =	swait.ge @!p1 [sflag:s14], $0x10  }
0x5a: {  	[sflag:s14] =	ssyncset.done @!p1 $0x0  }
0x5b: {  	[sflag:s14] =	ssyncadd.s32 @!p1 $0xFFFFFFF0  }
0x5c: {  	_ =	sfence.sel $0x180000  }
0x5d: {  	[bflag:$0x0] =	sbarrier.arrive $0xFFFF  }
0x5e: {  	_ =	strace $0x90000047  }
0x5f: {  	s0 =	sadd.s32 @!p0 $0x100000, s0;
	[bflag:$0x2] =	sbarrier.arrive $0xFFFF  }
0x60: {  	[sflag:s0] =	ssyncadd.tile.s32 @!p0 $0x1;
	_ =	shalt  }
.Lfunc_end2:
_tile_overlayer_lowered:
.L_overlay_start_2:
0x61: {  	(tag) =	ssettag $0x2  }
0x62: {  	s0 =	rddreg [dreg:$0x0];
	s2 =	stileid.u32  }
0x63: {  	s1 =	rddreg [dreg:$0x1];
	p0 =	sne.s32 s2, $0x0  }
0x64: {  	s3 =	rddreg [dreg:$0x2];
	[bflag:$0x3] =	sbarrier.arrive $0xFFFF;
	s2 =	simm.s32 @!p0 $0x1C02  }
0x65: {  	[timem:s3], [sflag:s2] =	dma.local @!p0 [hbm:s0], s1  }
0x66: {  	s0 =	simm.s32 @!p0 $0x2  }
0x67: {  	_ =	swait.ge @!p0 [sflag:s0], s1  }
0x68: {  	s1 =	ssub.s32 @!p0 $0x0, s1;
	[sflag:s0] =	ssyncset.done @!p0 $0x0  }
0x69: {  	[sflag:s0] =	ssyncadd.s32 @!p0 s1  }
0x6a: {  	[bflag:$0x3] =	sbarrier.arrive $0xFFFF  }
0x6b: {  	_ =	shalt  }

// kernel: kernel.9.cloned.1.call-start
scs
__scs_entry_jumppad:
0x0: {  	(pc) =	sbr.rel $0x88, $3  }
0x1: {  	(tag) =	ssettag $0x0;
	lr =	simm.s32 $0x1  }
0x2: {  	[smem:$0x3F9D] =	sst lr;
	_ =	strace $0xD0000000  }
0x3: {  	_ = 	snop  }
0x4: {  	_ = 	snop  }
0x5: {  	_ = 	snop  }
0x6: {  	_ = 	snop  }
0x7: {  	_ = 	snop  }
__scs_overlays_trampoline_lowered:
0x8: {  	[smem:$0x3FAC] =	sst s0  }
0x9: {  	[smem:$0x3FAD] =	sst s1  }
0xa: {  	[smem:$0x3FAE] =	sst s2  }
0xb: {  	[smem:$0x3FAF] =	sst s3  }
0xc: {  	[smem:$0x3FB0] =	sst s4  }
0xd: {  	[smem:$0x3FB1] =	sst s5  }
0xe: {  	[smem:$0x3FB2] =	sst s6  }
0xf: {  	[smem:$0x3FB3] =	sst s7  }
0x10: {  	[smem:$0x3FB4] =	sst s8  }
0x11: {  	[smem:$0x3FB5] =	sst s9;
	s0 =	simm.s32 @!p0 $0x0  }
0x12: {  	s1 =	sld [smem:$0x3F9B];
	s0 =	simm.s32 @p0 $0x1  }
0x13: {  	[smem:$0x3FB6] =	sst s0;
	s0 =	simm.s32 @!p1 $0x0  }
0x14: {  	s2 =	sld [smem:$0x3F9A];
	s0 =	simm.s32 @p1 $0x1  }
0x15: {  	[smem:$0x3FB7] =	sst s0;
	s0 =	simm.s32 @!p2 $0x0  }
0x16: {  	s3 =	sld [smem:$0x3FDB];
	s0 =	simm.s32 @p2 $0x1  }
0x17: {  	s4 =	simm.s32 $0x1BF5;
	[smem:$0x3FB9] =	sst s0  }
0x18: {  	s0 =	sld [smem:$0x3F9C];
	_ =	swait.ge [sflag:s4], $0x0  }
0x19: {  	s7 =	sld [smem:$0x3F9D]  }
0x1a: {  	s8 =	sadd.s32 $0xFFFFE003, lr  }
0x1b: {  	s9 =	sadd.s32 $0xFFFFFEF7, lr;
	s5 =	simm.s32 $0xFFFFFFFF;
	p2 =	slt.u32 s8, $0xFFFFF086  }
0x1c: {  	p1 =	slt.u32 s9, $0xF7A;
	s5 =	simm.s32 @!p2 $0x0  }
0x1d: {  	s5 =	simm.s32 @p1 $0x1;
	p0 =	seq.s32 s7, s2  }
0x1e: {  	s7 =	smul.u32 @!p0 $0xF7A, s2;
	p2 =	seq.s32 @!p0 s5, $0x0  }
0x1f: {  	s9 =	smul.u32 $0xF7A, s1;
	s8 =	simm.s32 @!p0 $0x1BF5;
	p2 =	por !p2, p0  }
0x20: {  	[sflag:s8] =	ssyncset.s32 @!p0 $0xFFFFF086;
	s6 =	sadd.s32 @!p0 s3, s7;
	s7 =	simm.s32 @!p0 $0x108  }
0x21: {  	s3 =	sadd.s32 s3, s9;
	s6 =	sadd.s32 @!p0 $0x88, s6;
	s7 =	simm.s32 @p2 $0x1082  }
0x22: {  	[simem:s7], [sflag:s8] =	dma.local @!p0 [hbm:s6], $0xF7A  }
0x23: {  	s9 =	sor.u32 $0xD0000000, s2;
	s6 =	simm.s32 $0x108;
	_ =	swait.ge @!p0 [sflag:s8], $0x0  }
0x24: {  	s3 =	sadd.s32 $0x88, s3;
	s6 =	simm.s32 @!p1 $0x1082;
	[sflag:s4] =	ssyncset.s32 $0xFFFFF086  }
0x25: {  	[simem:s6], [sflag:s4] =	dma.local [hbm:s3], $0xF7A  }
0x26: {  	[smem:$0x3F9D] =	sst s1;
	(tag) =	ssettag s2;
	_ =	strace s9  }
0x27: {  	s1 =	sld [smem:$0x3FAD]  }
0x28: {  	s2 =	sld [smem:$0x3FAE]  }
0x29: {  	s4 =	sld [smem:$0x3FB0]  }
0x2a: {  	p0 =	seq.s32 s5, $0x0;
	s5 =	sld [smem:$0x3FB1]  }
0x2b: {  	s6 =	sld [smem:$0x3FB2]  }
0x2c: {  	s7 =	sld [smem:$0x3FB3]  }
0x2d: {  	s3 =	simm.s32 $0x108;
	s8 =	sld [smem:$0x3FB4]  }
0x2e: {  	s3 =	simm.s32 @!p0 $0x1082;
	s9 =	sld [smem:$0x3FB5]  }
0x2f: {  	lr =	sadd.s32 s0, s3;
	s0 =	sld [smem:$0x3FAC]  }
0x30: {  	s3 =	sld [smem:$0x3FAF]  }
0x31: {  	[smem:$0x3FB8] =	sst s10  }
0x32: {  	s10 =	sld [smem:$0x3FB6];
	_ =	sdelay $0x3  }
0x33: {  	p0 =	seq.s32 s10, $0x1;
	s10 =	sld [smem:$0x3FB8];
	_ =	sdelay $0x3  }
0x34: {  	[smem:$0x3FB8] =	sst s10  }
0x35: {  	s10 =	sld [smem:$0x3FB7];
	_ =	sdelay $0x3  }
0x36: {  	p1 =	seq.s32 s10, $0x1;
	s10 =	sld [smem:$0x3FB8];
	_ =	sdelay $0x3  }
0x37: {  	[smem:$0x3FB8] =	sst s10  }
0x38: {  	s10 =	sld [smem:$0x3FB9]  }
0x39: {  	_ = 	snop;
	(pc) =	sbr.ind lr, $3  }
0x3a: {  	_ = 	snop  }
0x3b: {  	_ = 	snop  }
0x3c: {  	p2 =	seq.s32 s10, $0x1;
	s10 =	sld [smem:$0x3FB8]  }
0x3d: {  	_ =	shalt  }
0x3e: {  	_ =	shalt  }
0x3f: {  	_ =	shalt  }
0x40: {  	_ =	shalt  }
0x41: {  	_ =	shalt  }
0x42: {  	_ =	shalt  }
0x43: {  	_ =	shalt  }
0x44: {  	_ =	shalt  }
0x45: {  	_ =	shalt  }
0x46: {  	_ =	shalt  }
0x47: {  	_ =	shalt  }
0x48: {  	_ =	shalt  }
0x49: {  	_ =	shalt  }
0x4a: {  	_ =	shalt  }
0x4b: {  	_ =	shalt  }
0x4c: {  	_ =	shalt  }
0x4d: {  	_ =	shalt  }
0x4e: {  	_ =	shalt  }
0x4f: {  	_ =	shalt  }
0x50: {  	_ =	shalt  }
0x51: {  	_ =	shalt  }
0x52: {  	_ =	shalt  }
0x53: {  	_ =	shalt  }
0x54: {  	_ =	shalt  }
0x55: {  	_ =	shalt  }
0x56: {  	_ =	shalt  }
0x57: {  	_ =	shalt  }
0x58: {  	_ =	shalt  }
0x59: {  	_ =	shalt  }
0x5a: {  	_ =	shalt  }
0x5b: {  	_ =	shalt  }
0x5c: {  	_ =	shalt  }
0x5d: {  	_ =	shalt  }
0x5e: {  	_ =	shalt  }
0x5f: {  	_ =	shalt  }
0x60: {  	_ =	shalt  }
0x61: {  	_ =	shalt  }
0x62: {  	_ =	shalt  }
0x63: {  	_ =	shalt  }
0x64: {  	_ =	shalt  }
0x65: {  	_ =	shalt  }
0x66: {  	_ =	shalt  }
0x67: {  	_ =	shalt  }
0x68: {  	_ =	shalt  }
0x69: {  	_ =	shalt  }
0x6a: {  	_ =	shalt  }
0x6b: {  	_ =	shalt  }
0x6c: {  	_ =	shalt  }
0x6d: {  	_ =	shalt  }
0x6e: {  	_ =	shalt  }
0x6f: {  	_ =	shalt  }
0x70: {  	_ =	shalt  }
0x71: {  	_ =	shalt  }
0x72: {  	_ =	shalt  }
0x73: {  	_ =	shalt  }
0x74: {  	_ =	shalt  }
0x75: {  	_ =	shalt  }
0x76: {  	_ =	shalt  }
0x77: {  	_ =	shalt  }
0x78: {  	_ =	shalt  }
0x79: {  	_ =	shalt  }
0x7a: {  	_ =	shalt  }
0x7b: {  	_ =	shalt  }
0x7c: {  	_ =	shalt  }
0x7d: {  	_ =	shalt  }
0x7e: {  	_ =	shalt  }
0x7f: {  	_ =	shalt  }
0x80: {  	_ =	shalt  }
0x81: {  	_ =	shalt  }
0x82: {  	_ =	shalt  }
0x83: {  	_ =	shalt  }
0x84: {  	_ =	shalt  }
0x85: {  	_ =	shalt  }
0x86: {  	_ =	shalt  }
0x87: {  	_ =	shalt  }
.Lfunc_end0:
.L_simem_size_0:
called_computation.1_lowered:
.L_overlay_start_0:
0x88: {  	s2 =	sld [smem:$0x3FD9]  }
0x89: {  	s3 =	sld [smem:$0x3FFE];
	_ =	sdelay $0x1  }
0x8a: {  	s1 =	srdreg.scid  }
0x8b: {  	s0 =	sand.u32 $0x1, s1  }
0x8c: {  	s17 =	sshll.u32 s0, $0xA;
	s2 =	sadd.s32 s3, s2  }
0x8d: {  	s2 =	sadd.s32 s2, s17  }
0x8e: {  	[smem:$0x3FC4] =	sst s2  }
0x8f: {  	_ = 	snop  }
0x90: {  	s2 =	sld [smem:$0x3FC7]  }
0x91: {  	s18 =	sld [smem:$0x3FC6];
	(tm) =	ssettm $0x1  }
0x92: {  	s4 =	sld [smem:$0x3FFB];
	_ =	sdelay $0x3  }
0x93: {  	_ =	strace s4  }
0x94: {  	s4 =	sld [smem:$0x3FFC];
	_ =	sdelay $0x3  }
0x95: {  	_ =	strace s4  }
0x96: {  	s4 =	sld [smem:$0x3FFD];
	_ =	sdelay $0x3  }
0x97: {  	_ =	strace s4  }
0x98: {  	_ =	strace $0x8FFFFFFF  }
0x99: {  	s19 =	sld [smem:$0x3FDB];
	_ =	sdelay $0x1  }
0x9a: {  	s5 =	simm.s32 $_scs_section_size  }
0x9b: {  	s6 =	simm.s32 $_size__tile_overlayer_lowered;
	s7 =	simm.s32 $_tile_overlayer_lowered  }
0x9c: {  	s22 =	simm.s32 $0x1BFF;
	s21 =	sshll.u32 s7, $0x1;
	s4 =	sadd.s32 s5, s19  }
0x9d: {  	s8 =	simm.s32 $0x0;
	s20 =	sshll.u32 s6, $0x1;
	s6 =	sadd.s32 s21, s4  }
0x9e: {  	[timem:s8], [sflag:s22] =	dma.local [hbm:s6], s20  }
0x9f: {  	_ =	swait.ge [sflag:s22], s20  }
0xa0: {  	s5 =	ssub.s32 $0x0, s20;
	[sflag:s22] =	ssyncset.done $0x0  }
0xa1: {  	[sflag:s22] =	ssyncadd.s32 s5;
	_ =	sdelay $0x1  }
0xa2: {  	s23 =	simm.s32 $0x1B8B  }
0xa3: {  	_ =	swait.ge [sflag:s23], $0x1  }
0xa4: {  	[sflag:s23] =	ssyncset.done $0x0  }
0xa5: {  	s25 =	simm.s32 $0x1B8E;
	s24 =	sld [smem:$0x3FFE];
	[sflag:s23] =	ssyncadd.s32 $0xFFFFFFFF  }
0xa6: {  	s26 =	simm.s32 $execute0_lowered;
	[smem:$0x3FD2] =	sst s25  }
0xa7: {  	s6 =	sshll.u32 s26, $0x1;
	_ =	strace $0x80000049;
	[dreg:$0x1] =	wrdreg $0xFFFFFFFF  }
0xa8: {  	s28 =	simm.s32 $_size_execute0_lowered;
	s4 =	sadd.s32 s4, s6;
	[dreg:$0x0] =	wrdreg $0x0  }
0xa9: {  	s6 =	sshll.u32 s28, $0x1;
	[dreg:$0x2] =	wrdreg s4  }
0xaa: {  	[dreg:$0x3] =	wrdreg s6  }
0xab: {  	[dreg:$0x4] =	wrdreg $0xC0  }
0xac: {  	_ =	task [dreg:s8], $0x5FFFF  }
0xad: {  	[dreg:$0x1] =	wrdreg $0xFFFFFFFF  }
0xae: {  	[dreg:$0x0] =	wrdreg $0x60  }
0xaf: {  	[dreg:$0x2] =	wrdreg s2  }
0xb0: {  	[dreg:$0x3] =	wrdreg s18  }
0xb1: {  	[dreg:$0x4] =	wrdreg s24  }
0xb2: {  	[dreg:$0x5] =	wrdreg $0x9  }
0xb3: {  	_ =	task.clear_ibuf [dreg:s8], $0x6FFFF;
	_ =	strace $0x90000049  }
0xb4: {  	s29 =	simm.s32 $0x9;
	_ =	strace $0x8000004B  }
0xb5: {  	_ =	swait.ge [sflag:s29], $0x1  }
0xb6: {  	[sflag:s29] =	ssyncadd.s32 $0xFFFFFFFF  }
0xb7: {  	_ =	strace $0x9000004B  }
0xb8: {  	_ =	sfence  }
0xb9: {  	s30 =	sld [smem:$0x0];
	_ =	sdelay $0x2  }
0xba: {  	s31 =	sshll.u32 s1, $0xD;
	s1 =	sshrl.u32 s1, $0x2  }
0xbb: {  	s3 =	sand.u32 $0x4000, s31;
	s1 =	sadd.s32 s1, s30  }
0xbc: {  	s0 =	sor.u32 s3, s0;
	s1 =	sshll.u32 s1, $0x11  }
0xbd: {  	s0 =	sor.u32 s1, s0  }
0xbe: {  	s0 =	sadd.s32 $0x8F2B, s0  }
0xbf: {  	[sflag:s0] =	ssyncadd.remote.s32 $0x1  }
0xc0: {  	_ =	sfence.sel $0xFFFF  }
0xc1: {  	[dreg:$0x0] =	wrdreg $0xFFFFFFFF;
	(pc) =	sbr.abs _section_cstart, $3  }
0xc2: {  	[dreg:$0x1] =	wrdreg $0xFFFFFFFF  }
0xc3: {  	_ =	task.clear_ibuf [dreg:s8], $0x2FFFF;
	_ =	strace $0x9FFFFFFF  }
0xc4: {  	(tm) =	ssettm $0x7FFFFFFF  }
0xc5: {  	_ =	shalt  }
tec
execute0_lowered:
.L_overlay_start_1:
0x0: {  	(tag) =	ssettag $0x1  }
0x1: {  	s1 =	srdreg.scid;
	s0 =	stileid.u32  }
0x2: {  	s2 =	rddreg [dreg:$0x0];
	s12 =	sand.u32 $0x1, s1;
	s28 =	sshll.u32 s0, $0x1  }
0x3: {  	s3 =	rddreg [dreg:$0x1];
	s11 =	sor.u32 s12, s28  }
0x4: {  	s13 =	rddreg [dreg:$0x2];
	s5 =	smul.u32 $0x58, s11  }
0x5: {  	s4 =	simm.s32 $0x0;
	s1 =	rddreg [dreg:$0x3]  }
0x6: {  	[smem:$0x7FF] =	sst s4;
	s14 =	sadd.s32 s5, s13  }
0x7: {  	_ =	strace $0x8000004A;
	s5 =	simm.s32 $0x3;
	s6 =	sadd.s32 $0x1E00, s14  }
0x8: {  	[tilespmem:s4], [sflag:$0x3] =	stream.linear.gather [hbm4b:s6+s4], $0x2C0, $0x38;
	[tilespmem:$0x16600] =	vst v63  }
0x9: {  	_ =	swait.ge [sflag:s5], $0x2C0  }
0xa: {  	[sflag:s5] =	ssyncset.done $0x0  }
0xb: {  	s7 =	simm.s32 $0x2C0;
	s8 =	simm.s32 $0x300;
	[sflag:s5] =	ssyncadd.s32 $0xFFFFFD40  }
0xc: {  	[tilespmem:s8], [sflag:$0x1] =	stream.indirect.gather [hbm4b:s2+s7], $0x80, s4, s7, $0xb8;
	[tilespmem:$0x16600] =	vst v63  }
0xd: {  	s9 =	simm.s32 $0x16300;
	s10 =	simm.s32 $0x1  }
0xe: {  	[tilespmem:s9], [sflag:$0x2] =	stream.indirect.gather [hbm4b:s3+s7], $0x1, s4, s7, $0xb8;
	[tilespmem:$0x16600] =	vst v63  }
0xf: {  	_ =	swait.ge [sflag:s10], $0x16000  }
0x10: {  	s29 =	ssub.s32 $0x2, s12;
	[sflag:s10] =	ssyncset.done $0x0  }
0x11: {  	s15 =	smul.u32 $0x2C00, s11;
	s11 =	simm.s32 $0x2;
	[sflag:s10] =	ssyncadd.s32 $0xFFFEA000  }
0x12: {  	s30 =	sshrl.u32 s29, $0x1;
	_ =	swait.ge [sflag:s11], $0x2C0  }
0x13: {  	s13 =	sadd.s32 s15, s13;
	s15 =	ssub.s32 s29, s30;
	[sflag:s11] =	ssyncset.done $0x0  }
0x14: {  	s12 =	sadd.s32 $0x2A00, s13;
	s31 =	smax.u32 s15, $0x1;
	[sflag:s11] =	ssyncadd.s32 $0xFFFFFD40  }
0x15: {  	[hbm4b:s12+s4] =	stream.linear.scatter [tilespmem:s8], [sflag:$0x3], $0x16000, $0x38;
	[tilespmem:$0x16600] =	vst v63  }
0x16: {  	p0 =	sne.s32 s31, $0x1;
	_ =	swait.ge [sflag:s5], $0x16000  }
.Ltmp0:
0x17: {  	[sflag:s5] =	ssyncset.done $0x0;
	(pc) =	sbr.rel @!p0 .LBB2_2-.Ltmp0, $4  }
0x18: {  	s13 =	sadd.s32 $0x5AA00, s14;
	[sflag:s5] =	ssyncadd.s32 $0xFFFEA000  }
0x19: {  	[hbm4b:s13+s4] =	stream.linear.scatter [tilespmem:s9], [sflag:$0x3], $0x2C0, $0x38;
	[tilespmem:$0x16600] =	vst v63  }
0x1a: {  	_ =	swait.ge [sflag:s5], $0x2C0  }
0x1b: {  	s14 =	sadd.s32 $0xFFFFFFFF, s31;
	[sflag:s5] =	ssyncset.done $0x0  }
.LBB2_1:
0x1c: {  	p0 =	sne.s32 s14, $0x1;
	s14 =	sadd.s32 $0xFFFFFFFF, s14;
	[sflag:s5] =	ssyncadd.s32 $0xFFFFFD40  }
0x1d: {  	[tilespmem:s4], [sflag:$0x3] =	stream.linear.gather [hbm4b:s6+s4], $0x2C0, $0x38;
	[tilespmem:$0x16600] =	vst v63  }
0x1e: {  	_ =	swait.ge [sflag:s5], $0x2C0  }
0x1f: {  	[sflag:s5] =	ssyncset.done $0x0  }
0x20: {  	[sflag:s5] =	ssyncadd.s32 $0xFFFFFD40  }
0x21: {  	[tilespmem:s8], [sflag:$0x1] =	stream.indirect.gather [hbm4b:s2+s7], $0x80, s4, s7, $0xb8;
	[tilespmem:$0x16600] =	vst v63  }
0x22: {  	_ = 	snop  }
0x23: {  	[tilespmem:s9], [sflag:$0x2] =	stream.indirect.gather [hbm4b:s3+s7], $0x1, s4, s7, $0xb8;
	[tilespmem:$0x16600] =	vst v63  }
0x24: {  	_ =	swait.ge [sflag:s10], $0x16000  }
0x25: {  	[sflag:s10] =	ssyncset.done $0x0  }
0x26: {  	[sflag:s10] =	ssyncadd.s32 $0xFFFEA000  }
0x27: {  	_ =	swait.ge [sflag:s11], $0x2C0  }
0x28: {  	[sflag:s11] =	ssyncset.done $0x0  }
0x29: {  	[sflag:s11] =	ssyncadd.s32 $0xFFFFFD40  }
0x2a: {  	[hbm4b:s12+s4] =	stream.linear.scatter [tilespmem:s8], [sflag:$0x3], $0x16000, $0x38;
	[tilespmem:$0x16600] =	vst v63  }
0x2b: {  	_ =	swait.ge [sflag:s5], $0x16000  }
.Ltmp1:
0x2c: {  	[sflag:s5] =	ssyncset.done $0x0;
	(pc) =	sbr.rel @p0 .LBB2_1-.Ltmp1, $4  }
0x2d: {  	[sflag:s5] =	ssyncadd.s32 $0xFFFEA000  }
0x2e: {  	[hbm4b:s13+s4] =	stream.linear.scatter [tilespmem:s9], [sflag:$0x3], $0x2C0, $0x38;
	[tilespmem:$0x16600] =	vst v63  }
0x2f: {  	_ =	swait.ge [sflag:s5], $0x2C0  }
0x30: {  	[sflag:s5] =	ssyncset.done $0x0  }
.LBB2_2:
0x31: {  	[sflag:s5] =	ssyncadd.s32 $0xFFFFFD40  }
0x32: {  	_ =	sfence.sel $0x180000  }
0x33: {  	[bflag:$0x0] =	sbarrier.arrive $0xFFFF  }
0x34: {  	p0 =	sne.s32 s0, $0x0;
	_ =	strace $0x9000004A  }
0x35: {  	s0 =	sadd.s32 @!p0 $0x100000, s1;
	[bflag:$0x2] =	sbarrier.arrive $0xFFFF  }
0x36: {  	[sflag:s0] =	ssyncadd.tile.s32 @!p0 $0x1;
	_ =	shalt  }
.Lfunc_end2:
_tile_overlayer_lowered:
.L_overlay_start_2:
0x37: {  	(tag) =	ssettag $0x2  }
0x38: {  	s0 =	rddreg [dreg:$0x0];
	s2 =	stileid.u32  }
0x39: {  	s1 =	rddreg [dreg:$0x1];
	p0 =	sne.s32 s2, $0x0  }
0x3a: {  	s3 =	rddreg [dreg:$0x2];
	[bflag:$0x3] =	sbarrier.arrive $0xFFFF;
	s2 =	simm.s32 @!p0 $0x1C03  }
0x3b: {  	[timem:s3], [sflag:s2] =	dma.local @!p0 [hbm:s0], s1  }
0x3c: {  	s0 =	simm.s32 @!p0 $0x3  }
0x3d: {  	_ =	swait.ge @!p0 [sflag:s0], s1  }
0x3e: {  	s1 =	ssub.s32 @!p0 $0x0, s1;
	[sflag:s0] =	ssyncset.done @!p0 $0x0  }
0x3f: {  	[sflag:s0] =	ssyncadd.s32 @!p0 s1  }
0x40: {  	[bflag:$0x3] =	sbarrier.arrive $0xFFFF  }
0x41: {  	_ =	shalt  }

</sc_bundles>
